<compile_context>
chip_gen: v7x
topology: tpu7x:2x2x1
jax: 0.10.2.dev20260603
libtpu: 0.0.44.dev20260713+nightly
codegen_flags: <defaults>
</compile_context>

<pallas_src>
import functools

import jax
import jax.numpy as jnp
from jax import lax
from jax.experimental import pallas as pl
from jax.experimental.pallas import tpu as pltpu
from jax.experimental.pallas import tpu_sc as plsc

B = 4
N = 8192
S = 512
K = 32
C = 128
R2 = 0.2 * 0.2

NROW = 8
NCOL = N // NROW

NC = 2
NS = 16
NW = NC * NS
SUB_PER_B = NW // B
ROWS_PER_W = S // SUB_PER_B
IBUF_W = 96
UNROLL = 4
NGRP = N // (16 * UNROLL)


def _fps_kernel(x_ref, q_ref, p2_ref):
    X = x_ref[:, 0, :, :]
    Y = x_ref[:, 1, :, :]
    Z = x_ref[:, 2, :, :]
    p2_ref[...] = (X * X + Y * Y) + Z * Z
    row_io = lax.broadcasted_iota(jnp.int32, (B, NROW, NCOL), 1)
    col_io = lax.broadcasted_iota(jnp.int32, (B, NROW, NCOL), 2)
    flat = row_io * NCOL + col_io

    def body(i, carry):
        dists, far = carry
        onehot = flat == far
        cx = jnp.sum(jnp.where(onehot, X, 0.0), axis=(1, 2), keepdims=True)
        cy = jnp.sum(jnp.where(onehot, Y, 0.0), axis=(1, 2), keepdims=True)
        cz = jnp.sum(jnp.where(onehot, Z, 0.0), axis=(1, 2), keepdims=True)
        d = (X - cx) ** 2 + (Y - cy) ** 2 + (Z - cz) ** 2
        dists = jnp.minimum(dists, d)
        m = jnp.max(dists, axis=(1, 2), keepdims=True)
        far_new = jnp.min(
            jnp.where(dists == m, flat, jnp.int32(N)), axis=(1, 2), keepdims=True
        )
        q_row = jnp.concatenate(
            [cx, cy, cz, jnp.zeros((B, 1, 13), jnp.float32)], axis=2
        )
        q_ref[:, pl.ds(i, 1), :] = q_row
        return dists, far_new

    dists0 = jnp.full((B, NROW, NCOL), 1e10, jnp.float32)
    far0 = jnp.zeros((B, 1, 1), jnp.int32)
    lax.fori_loop(0, S, body, (dists0, far0))


def _fps(xyz):
    xr = xyz.reshape(B, 3, NROW, NCOL)
    return pl.pallas_call(
        _fps_kernel,
        out_shape=[
            jax.ShapeDtypeStruct((B, S, 16), jnp.float32),
            jax.ShapeDtypeStruct((B, NROW, NCOL), jnp.float32),
        ],
    )(xr)


def _bf16_rne(v):
    u = plsc.bitcast(v, jnp.uint32)
    bias = jnp.uint32(0x7FFF) + ((u >> 16) & jnp.uint32(1))
    return plsc.bitcast((u + bias) & jnp.uint32(0xFFFF0000), jnp.float32)


def _sc_group_kernel(xyz_hbm, xyzb_hbm, p2_hbm, q_hbm, ft_hbm,
                     out_f_hbm, out_x_hbm,
                     xyz_v, xyzb_v, p2_v, q_v, ib_v, fr_v, xb_v, sem):
    cid = lax.axis_index("c")
    sid = lax.axis_index("s")
    wid = sid * NC + cid
    b = wid // SUB_PER_B
    rowbase = (wid % SUB_PER_B) * ROWS_PER_W

    pltpu.sync_copy(xyz_hbm.at[b], xyz_v)
    pltpu.sync_copy(xyzb_hbm.at[b], xyzb_v)
    pltpu.sync_copy(p2_hbm.at[b], p2_v)
    pltpu.sync_copy(
        q_hbm.at[b].at[pl.ds(rowbase * 16, ROWS_PER_W * 16)], q_v
    )

    io16 = lax.iota(jnp.int32, 16)
    zeros16 = jnp.zeros((16,), jnp.int32)
    ones16 = jnp.full((16,), 1, jnp.int32)
    twos16 = jnp.full((16,), 2, jnp.int32)

    def row_body(r, _):
        rvec = jnp.full((16,), r * 16, jnp.int32)
        qx = plsc.load_gather(q_v, [rvec])
        qy = plsc.load_gather(q_v, [rvec + 1])
        qz = plsc.load_gather(q_v, [rvec + 2])
        q2 = (qx * qx + qy * qy) + qz * qz
        qbx = _bf16_rne(qx)
        qby = _bf16_rne(qy)
        qbz = _bf16_rne(qz)

        def wcond(st):
            cnt, g = st
            return (cnt < K) & (g < NGRP)

        def wbody(st):
            cnt, g = st
            base = g * (16 * UNROLL)
            masks = []
            for u in range(UNROLL):
                off = base + u * 16
                pbx = xyzb_v[pl.ds(off, 16)]
                pby = xyzb_v[pl.ds(N + off, 16)]
                pbz = xyzb_v[pl.ds(2 * N + off, 16)]
                p2 = p2_v[pl.ds(off, 16)]
                dot = (qbx * pbx + qby * pby) + qbz * pbz
                sqr = (q2 + p2) - 2.0 * dot
                masks.append(sqr <= R2)
            pops = [jnp.sum(m.astype(jnp.int32)) for m in masks]
            off0 = cnt
            for u in range(UNROLL):
                idxv = io16 + (base + u * 16)
                plsc.store_compressed(
                    ib_v.at[pl.ds(off0, 16)], idxv, mask=masks[u]
                )
                off0 = off0 + pops[u]
            return off0, g + 1

        cnt, _g = lax.while_loop(wcond, wbody, (jnp.int32(0), jnp.int32(0)))

        v0 = ib_v[pl.ds(0, 16)]
        first = jnp.min(jnp.where(io16 == 0, v0, jnp.int32(2147483647)))
        for h in (0, 16):
            cur = ib_v[pl.ds(h, 16)]
            pos = io16 + h
            ib_v[pl.ds(h, 16)] = jnp.where(pos < cnt, cur, first)

        for h in (0, 16):
            iv = ib_v[pl.ds(h, 16)]
            gx = plsc.load_gather(xyz_v, [iv])
            gy = plsc.load_gather(xyz_v, [iv + N])
            gz = plsc.load_gather(xyz_v, [iv + 2 * N])
            xb_v[pl.ds(r * K + h, 16)] = gx - qx
            xb_v[pl.ds(ROWS_PER_W * K + r * K + h, 16)] = gy - qy
            xb_v[pl.ds(2 * ROWS_PER_W * K + r * K + h, 16)] = gz - qz

        idx_ref = ib_v.at[pl.ds(0, K)]
        pltpu.async_copy(ft_hbm.at[b].at[idx_ref], fr_v, sem).wait()
        pltpu.sync_copy(fr_v, out_f_hbm.at[b].at[rowbase + r])
        return 0

    lax.fori_loop(0, ROWS_PER_W, row_body, 0)
    for c3 in range(3):
        pltpu.sync_copy(
            xb_v.at[pl.ds(c3 * ROWS_PER_W * K, ROWS_PER_W * K)],
            out_x_hbm.at[b].at[pl.ds(c3 * S * K + rowbase * K, ROWS_PER_W * K)],
        )


def _sc_group(xyz, q, p2, ft):
    mesh = plsc.VectorSubcoreMesh(
        core_axis_name="c", subcore_axis_name="s", num_cores=NC, num_subcores=NS
    )
    f = functools.partial(
        pl.kernel,
        out_type=[
            jax.ShapeDtypeStruct((B, S, K, C), jnp.float32),
            jax.ShapeDtypeStruct((B, 3 * S * K), jnp.float32),
        ],
        mesh=mesh,
        compiler_params=pltpu.CompilerParams(needs_layout_passes=False),
        scratch_types=[
            pltpu.VMEM((3 * N,), jnp.float32),
            pltpu.VMEM((3 * N,), jnp.float32),
            pltpu.VMEM((N,), jnp.float32),
            pltpu.VMEM((ROWS_PER_W * 16,), jnp.float32),
            pltpu.VMEM((IBUF_W,), jnp.int32),
            pltpu.VMEM((K, C), jnp.float32),
            pltpu.VMEM((3 * ROWS_PER_W * K,), jnp.float32),
            pltpu.SemaphoreType.DMA,
        ],
    )(_sc_group_kernel)
    u = lax.bitcast_convert_type(xyz, jnp.uint32)
    bias = jnp.uint32(0x7FFF) + ((u >> 16) & jnp.uint32(1))
    xyzb = lax.bitcast_convert_type((u + bias) & jnp.uint32(0xFFFF0000),
                                    jnp.float32)
    return f(xyz.reshape(B, 3 * N), xyzb.reshape(B, 3 * N),
             p2.reshape(B, N), q.reshape(B, S * 16), ft)


def _transpose_kernel(i_ref, o_ref):
    o_ref[0] = jnp.transpose(i_ref[0], (1, 0))


def _transpose_features(gf):
    BLK = 1024
    return pl.pallas_call(
        _transpose_kernel,
        grid=(B, (S * K) // BLK),
        in_specs=[pl.BlockSpec((1, BLK, C), lambda b, j: (b, j, 0))],
        out_specs=pl.BlockSpec((1, C, BLK), lambda b, j: (b, 0, j)),
        out_shape=jax.ShapeDtypeStruct((B, C, S * K), jnp.float32),
    )(gf)


def kernel(xyz, features):
    q, p2 = _fps(xyz)
    new_xyz = jnp.transpose(q[:, :, :3], (0, 2, 1))
    ft = jnp.transpose(features, (0, 2, 1))
    gf, gx = _sc_group(xyz, q, p2, ft)
    nf = jnp.zeros((B, 131, S, K), jnp.float32) + (gf[0, 0, 0, 0] + gx[0, 0]) * 0
    return (new_xyz, nf)

# --- scband reference (transcript-rebuilt; emitter-appended) ---
"""Pipeline reference for scband-sample-and-group-32298154066786 (READ-ONLY COPY).

The authoritative reference and input builder live on the scoring server;
editing this copy changes nothing except your own understanding.
"""

import jax, jax.numpy as jnp
import numpy as np

NPOINT = 512
RADIUS = 0.2
NSAMPLE = 32


def furthest_point_sampling(points, npoint):
    # points: (B, N, 3) -> idx: (B, npoint) int32
    B, N, _ = points.shape

    def body(i, state):
        dists, idxs, farthest = state
        idxs = idxs.at[:, i].set(farthest)
        centroid = jnp.take_along_axis(points, farthest[:, None, None], axis=1)  # (B,1,3)
        d = jnp.sum((points - centroid) ** 2, axis=-1)  # (B,N)
        dists = jnp.minimum(dists, d)
        farthest = jnp.argmax(dists, axis=-1).astype(jnp.int32)
        return (dists, idxs, farthest)

    dists = jnp.full((B, N), 1e10, dtype=points.dtype)
    idxs = jnp.zeros((B, npoint), dtype=jnp.int32)
    farthest = jnp.zeros((B,), dtype=jnp.int32)
    _, idxs, _ = jax.lax.fori_loop(0, npoint, body, (dists, idxs, farthest))
    return idxs


def gather_points(feats, idx):
    # feats: (B, C, N), idx: (B, S) -> (B, C, S)
    return jnp.take_along_axis(feats, idx[:, None, :], axis=2)


def ball_query(new_xyz, xyz, nsample, radius):
    # new_xyz: (B, S, 3) queries, xyz: (B, N, 3) -> idx: (B, S, nsample) int32
    B, S, _ = new_xyz.shape
    N = xyz.shape[1]
    sqr = (
        jnp.sum(new_xyz ** 2, axis=-1)[:, :, None]
        + jnp.sum(xyz ** 2, axis=-1)[:, None, :]
        - 2.0 * jnp.einsum('bsd,bnd->bsn', new_xyz, xyz)
    )  # (B, S, N)
    group_idx = jnp.broadcast_to(jnp.arange(N, dtype=jnp.int32), (B, S, N))
    group_idx = jnp.where(sqr > radius * radius, N, group_idx)
    group_idx = jnp.sort(group_idx, axis=-1)[:, :, :nsample]
    first = group_idx[:, :, :1]
    group_idx = jnp.where(group_idx == N, first, group_idx)
    return group_idx


def group_points(feats, idx):
    # feats: (B, C, N), idx: (B, S, K) -> (B, C, S, K)
    B, C, N = feats.shape
    _, S, K = idx.shape
    flat = idx.reshape(B, 1, S * K)
    return jnp.take_along_axis(feats, flat, axis=2).reshape(B, C, S, K)


def setup_inputs(seed: int = 0) -> dict:
    key = jax.random.key(seed)
    k1, k2 = jax.random.split(key)
    xyz = jax.random.uniform(k1, (4, 3, 8192), dtype=jnp.float32)
    features = jax.random.normal(k2, (4, 128, 8192), dtype=jnp.float32)
    return {"xyz": xyz, "features": features}


def reference(xyz, features):
    xyz_trans = jnp.transpose(xyz, (0, 2, 1))  # (B, N, 3)
    fps_idx = furthest_point_sampling(xyz_trans, NPOINT)  # (B, npoint)
    new_xyz = gather_points(xyz, fps_idx)  # (B, 3, npoint)
    idx = ball_query(jnp.transpose(new_xyz, (0, 2, 1)), xyz_trans, NSAMPLE, RADIUS)  # (B, npoint, nsample)
    grouped_xyz = group_points(xyz, idx)  # (B, 3, npoint, nsample)
    grouped_xyz = grouped_xyz - new_xyz[:, :, :, None]
    grouped_features = group_points(features, idx)  # (B, C, npoint, nsample)
    new_features = jnp.concatenate([grouped_xyz, grouped_features], axis=1)  # use_xyz=True
    return (new_xyz, new_features)

if __name__ == "__main__":
    import jax
    _d = setup_inputs()
    print(jax.jit(kernel)(*tuple(_d.values())))

</pallas_src>

<mosaic_0001>
#map = affine_map<(d0, d1) -> (0, 0)>
#map1 = affine_map<(d0, d1) -> (0, 0, 0)>
#map2 = affine_map<(d0, d1) -> (0, 0, 0, 0)>
module attributes {stable_mosaic.version = 14 : i64} {
  func.func @_sc_group_kernel(%arg0: i32, %arg1: i32, %arg2: memref<4x24576xf32, #tpu.memory_space<hbm>>, %arg3: memref<4x24576xf32, #tpu.memory_space<hbm>>, %arg4: memref<4x8192xf32, #tpu.memory_space<hbm>>, %arg5: memref<4x8192xf32, #tpu.memory_space<hbm>>, %arg6: memref<4x8192x128xf32, #tpu.memory_space<hbm>>, %arg7: memref<4x512x32x128xf32, #tpu.memory_space<hbm>>, %arg8: memref<4x49152xf32, #tpu.memory_space<hbm>>, %arg9: memref<24576xf32, #tpu.memory_space<vmem>>, %arg10: memref<24576xf32, #tpu.memory_space<vmem>>, %arg11: memref<8192xf32, #tpu.memory_space<vmem>>, %arg12: memref<1024xf32, #tpu.memory_space<vmem>>, %arg13: memref<96xi32, #tpu.memory_space<vmem>>, %arg14: memref<32x128xf32, #tpu.memory_space<vmem>>, %arg15: memref<6144xf32, #tpu.memory_space<vmem>>, %arg16: memref<!tpu.dma_semaphore, #tpu.memory_space<semaphore_mem>>) attributes {dimension_semantics = [#tpu.dimension_semantics<core_parallel>, #tpu.dimension_semantics<subcore_parallel>], iteration_bounds = array<i64: 2, 16>, scalar_prefetch = 0 : i64, scratch_operands = 8 : i64, tpu.core_type = #tpu.core_type<sc_vector_subcore>, window_params = [{transform_indices = #map}, {transform_indices = #map}, {transform_indices = #map}, {transform_indices = #map}, {transform_indices = #map1}, {transform_indices = #map2}, {transform_indices = #map}]} {
    %mul3A = arith.constant 2 : i32
    %mul3A_0 = arith.muli %arg1, %mul3A : i32
    %add3A = arith.addi %mul3A_0, %arg0 : i32
    %jit3A = arith.constant 8 : i32
    %div3A = arith.divsi %add3A, %jit3A : i32
    %sign3A = arith.constant 0 : i32
    %sign3A_1 = arith.cmpi sgt, %add3A, %sign3A : i32
    %sign3A_2 = arith.extui %sign3A_1 : i1 to i32
    %sign3A_3 = arith.constant 0 : i32
    %sign3A_4 = arith.cmpi slt, %add3A, %sign3A_3 : i32
    %sign3A_5 = arith.extui %sign3A_4 : i1 to i32
    %sign3A_6 = arith.subi %sign3A_2, %sign3A_5 : i32
    %sign3A_7 = arith.constant 0 : i32
    %sign3A_8 = arith.cmpi sgt, %jit3A, %sign3A_7 : i32
    %sign3A_9 = arith.extui %sign3A_8 : i1 to i32
    %sign3A_10 = arith.constant 0 : i32
    %sign3A_11 = arith.cmpi slt, %jit3A, %sign3A_10 : i32
    %sign3A_12 = arith.extui %sign3A_11 : i1 to i32
    %sign3A_13 = arith.subi %sign3A_9, %sign3A_12 : i32
    %ne3A = arith.cmpi ne, %sign3A_6, %sign3A_13 : i32
    %rem3A = arith.remsi %add3A, %jit3A : i32
    %ne3A_14 = arith.constant 0 : i32
    %ne3A_15 = arith.cmpi ne, %rem3A, %ne3A_14 : i32
    %and3A = arith.andi %ne3A, %ne3A_15 : i1
    %sub3A = arith.constant 1 : i32
    %sub3A_16 = arith.subi %div3A, %sub3A : i32
    %select_n3A = arith.select %and3A, %sub3A_16, %div3A : i32
    %jit3A_17 = arith.constant 8 : i32
    %eq3A = arith.constant 0 : i32
    %eq3A_18 = arith.cmpi eq, %jit3A_17, %eq3A : i32
    %jit3A_19 = arith.constant 1 : i32
    %select_n3A_20 = arith.select %eq3A_18, %jit3A_19, %jit3A_17 : i32
    %rem3A_21 = arith.remsi %add3A, %select_n3A_20 : i32
    %ne3A_22 = arith.constant 0 : i32
    %ne3A_23 = arith.cmpi ne, %rem3A_21, %ne3A_22 : i32
    %lt3A = arith.constant 0 : i32
    %lt3A_24 = arith.cmpi slt, %rem3A_21, %lt3A : i32
    %lt3A_25 = arith.constant 0 : i32
    %lt3A_26 = arith.cmpi slt, %select_n3A_20, %lt3A_25 : i32
    %ne3A_27 = arith.xori %lt3A_24, %lt3A_26 : i1
    %and3A_28 = arith.andi %ne3A_27, %ne3A_23 : i1
    %add3A_29 = arith.addi %rem3A_21, %select_n3A_20 : i32
    %select_n3A_30 = arith.select %and3A_28, %add3A_29, %rem3A_21 : i32
    %mul3A_31 = arith.constant 64 : i32
    %mul3A_32 = arith.muli %select_n3A_30, %mul3A_31 : i32
    "tpu.region"() ({
      %run_scoped3A = tpu.sem_alloc : memref<!tpu.dma_semaphore, #tpu.memory_space<semaphore_mem>>
      %dma_start3A = arith.constant 0 : i32
      %dma_start3A_58 = tpu.memref_slice %arg2[%select_n3A, %dma_start3A] : memref<4x24576xf32, #tpu.memory_space<hbm>> -> memref<1x24576xf32, #tpu.memory_space<hbm>>
      %dma_start3A_59 = tpu.memref_squeeze %dma_start3A_58 : memref<1x24576xf32, #tpu.memory_space<hbm>> -> memref<24576xf32, #tpu.memory_space<hbm>>
      %dma_start3A_60 = arith.constant 0 : i32
      %dma_start3A_61 = tpu.memref_slice %arg2[%select_n3A, %dma_start3A_60] : memref<4x24576xf32, #tpu.memory_space<hbm>> -> memref<1x24576xf32, #tpu.memory_space<hbm>>
      %dma_start3A_62 = tpu.memref_squeeze %dma_start3A_61 : memref<1x24576xf32, #tpu.memory_space<hbm>> -> memref<24576xf32, #tpu.memory_space<hbm>>
      tpu.enqueue_dma source(%dma_start3A_62 : memref<24576xf32, #tpu.memory_space<hbm>>) target(%arg9 : memref<24576xf32, #tpu.memory_space<vmem>>) target_semaphore(%run_scoped3A : memref<!tpu.dma_semaphore, #tpu.memory_space<semaphore_mem>>)
      %dma_wait3A = arith.constant 0 : i32
      %dma_wait3A_63 = tpu.memref_slice %arg2[%select_n3A, %dma_wait3A] : memref<4x24576xf32, #tpu.memory_space<hbm>> -> memref<1x24576xf32, #tpu.memory_space<hbm>>
      %dma_wait3A_64 = tpu.memref_squeeze %dma_wait3A_63 : memref<1x24576xf32, #tpu.memory_space<hbm>> -> memref<24576xf32, #tpu.memory_space<hbm>>
      %dma_wait3A_65 = arith.constant 0 : i32
      %dma_wait3A_66 = tpu.memref_slice %arg2[%select_n3A, %dma_wait3A_65] : memref<4x24576xf32, #tpu.memory_space<hbm>> -> memref<1x24576xf32, #tpu.memory_space<hbm>>
      %dma_wait3A_67 = tpu.memref_squeeze %dma_wait3A_66 : memref<1x24576xf32, #tpu.memory_space<hbm>> -> memref<24576xf32, #tpu.memory_space<hbm>>
      tpu.wait_dma2 semaphore(%run_scoped3A : memref<!tpu.dma_semaphore, #tpu.memory_space<semaphore_mem>>) src(%dma_wait3A_67 : memref<24576xf32, #tpu.memory_space<hbm>>) dst(%arg9 : memref<24576xf32, #tpu.memory_space<vmem>>)
      tpu.yield
    }) : () -> ()
    "tpu.region"() ({
      %run_scoped3A = tpu.sem_alloc : memref<!tpu.dma_semaphore, #tpu.memory_space<semaphore_mem>>
      %dma_start3A = arith.constant 0 : i32
      %dma_start3A_58 = tpu.memref_slice %arg3[%select_n3A, %dma_start3A] : memref<4x24576xf32, #tpu.memory_space<hbm>> -> memref<1x24576xf32, #tpu.memory_space<hbm>>
      %dma_start3A_59 = tpu.memref_squeeze %dma_start3A_58 : memref<1x24576xf32, #tpu.memory_space<hbm>> -> memref<24576xf32, #tpu.memory_space<hbm>>
      %dma_start3A_60 = arith.constant 0 : i32
      %dma_start3A_61 = tpu.memref_slice %arg3[%select_n3A, %dma_start3A_60] : memref<4x24576xf32, #tpu.memory_space<hbm>> -> memref<1x24576xf32, #tpu.memory_space<hbm>>
      %dma_start3A_62 = tpu.memref_squeeze %dma_start3A_61 : memref<1x24576xf32, #tpu.memory_space<hbm>> -> memref<24576xf32, #tpu.memory_space<hbm>>
      tpu.enqueue_dma source(%dma_start3A_62 : memref<24576xf32, #tpu.memory_space<hbm>>) target(%arg10 : memref<24576xf32, #tpu.memory_space<vmem>>) target_semaphore(%run_scoped3A : memref<!tpu.dma_semaphore, #tpu.memory_space<semaphore_mem>>)
      %dma_wait3A = arith.constant 0 : i32
      %dma_wait3A_63 = tpu.memref_slice %arg3[%select_n3A, %dma_wait3A] : memref<4x24576xf32, #tpu.memory_space<hbm>> -> memref<1x24576xf32, #tpu.memory_space<hbm>>
      %dma_wait3A_64 = tpu.memref_squeeze %dma_wait3A_63 : memref<1x24576xf32, #tpu.memory_space<hbm>> -> memref<24576xf32, #tpu.memory_space<hbm>>
      %dma_wait3A_65 = arith.constant 0 : i32
      %dma_wait3A_66 = tpu.memref_slice %arg3[%select_n3A, %dma_wait3A_65] : memref<4x24576xf32, #tpu.memory_space<hbm>> -> memref<1x24576xf32, #tpu.memory_space<hbm>>
      %dma_wait3A_67 = tpu.memref_squeeze %dma_wait3A_66 : memref<1x24576xf32, #tpu.memory_space<hbm>> -> memref<24576xf32, #tpu.memory_space<hbm>>
      tpu.wait_dma2 semaphore(%run_scoped3A : memref<!tpu.dma_semaphore, #tpu.memory_space<semaphore_mem>>) src(%dma_wait3A_67 : memref<24576xf32, #tpu.memory_space<hbm>>) dst(%arg10 : memref<24576xf32, #tpu.memory_space<vmem>>)
      tpu.yield
    }) : () -> ()
    "tpu.region"() ({
      %run_scoped3A = tpu.sem_alloc : memref<!tpu.dma_semaphore, #tpu.memory_space<semaphore_mem>>
      %dma_start3A = arith.constant 0 : i32
      %dma_start3A_58 = tpu.memref_slice %arg4[%select_n3A, %dma_start3A] : memref<4x8192xf32, #tpu.memory_space<hbm>> -> memref<1x8192xf32, #tpu.memory_space<hbm>>
      %dma_start3A_59 = tpu.memref_squeeze %dma_start3A_58 : memref<1x8192xf32, #tpu.memory_space<hbm>> -> memref<8192xf32, #tpu.memory_space<hbm>>
      %dma_start3A_60 = arith.constant 0 : i32
      %dma_start3A_61 = tpu.memref_slice %arg4[%select_n3A, %dma_start3A_60] : memref<4x8192xf32, #tpu.memory_space<hbm>> -> memref<1x8192xf32, #tpu.memory_space<hbm>>
      %dma_start3A_62 = tpu.memref_squeeze %dma_start3A_61 : memref<1x8192xf32, #tpu.memory_space<hbm>> -> memref<8192xf32, #tpu.memory_space<hbm>>
      tpu.enqueue_dma source(%dma_start3A_62 : memref<8192xf32, #tpu.memory_space<hbm>>) target(%arg11 : memref<8192xf32, #tpu.memory_space<vmem>>) target_semaphore(%run_scoped3A : memref<!tpu.dma_semaphore, #tpu.memory_space<semaphore_mem>>)
      %dma_wait3A = arith.constant 0 : i32
      %dma_wait3A_63 = tpu.memref_slice %arg4[%select_n3A, %dma_wait3A] : memref<4x8192xf32, #tpu.memory_space<hbm>> -> memref<1x8192xf32, #tpu.memory_space<hbm>>
      %dma_wait3A_64 = tpu.memref_squeeze %dma_wait3A_63 : memref<1x8192xf32, #tpu.memory_space<hbm>> -> memref<8192xf32, #tpu.memory_space<hbm>>
      %dma_wait3A_65 = arith.constant 0 : i32
      %dma_wait3A_66 = tpu.memref_slice %arg4[%select_n3A, %dma_wait3A_65] : memref<4x8192xf32, #tpu.memory_space<hbm>> -> memref<1x8192xf32, #tpu.memory_space<hbm>>
      %dma_wait3A_67 = tpu.memref_squeeze %dma_wait3A_66 : memref<1x8192xf32, #tpu.memory_space<hbm>> -> memref<8192xf32, #tpu.memory_space<hbm>>
      tpu.wait_dma2 semaphore(%run_scoped3A : memref<!tpu.dma_semaphore, #tpu.memory_space<semaphore_mem>>) src(%dma_wait3A_67 : memref<8192xf32, #tpu.memory_space<hbm>>) dst(%arg11 : memref<8192xf32, #tpu.memory_space<vmem>>)
      tpu.yield
    }) : () -> ()
    %mul3A_33 = arith.constant 16 : i32
    %mul3A_34 = arith.muli %mul3A_32, %mul3A_33 : i32
    "tpu.region"() ({
      %run_scoped3A = tpu.sem_alloc : memref<!tpu.dma_semaphore, #tpu.memory_space<semaphore_mem>>
      %dma_start3A = arith.constant 0 : i32
      %dma_start3A_58 = tpu.memref_slice %arg5[%select_n3A, %dma_start3A] : memref<4x8192xf32, #tpu.memory_space<hbm>> -> memref<1x8192xf32, #tpu.memory_space<hbm>>
      %dma_start3A_59 = tpu.memref_squeeze %dma_start3A_58 : memref<1x8192xf32, #tpu.memory_space<hbm>> -> memref<8192xf32, #tpu.memory_space<hbm>>
      %dma_start3A_60 = tpu.memref_slice %dma_start3A_59[%mul3A_34] : memref<8192xf32, #tpu.memory_space<hbm>> -> memref<1024xf32, #tpu.memory_space<hbm>>
      %dma_start3A_61 = arith.constant 0 : i32
      %dma_start3A_62 = tpu.memref_slice %arg5[%select_n3A, %dma_start3A_61] : memref<4x8192xf32, #tpu.memory_space<hbm>> -> memref<1x8192xf32, #tpu.memory_space<hbm>>
      %dma_start3A_63 = tpu.memref_squeeze %dma_start3A_62 : memref<1x8192xf32, #tpu.memory_space<hbm>> -> memref<8192xf32, #tpu.memory_space<hbm>>
      %dma_start3A_64 = tpu.memref_slice %dma_start3A_63[%mul3A_34] : memref<8192xf32, #tpu.memory_space<hbm>> -> memref<1024xf32, #tpu.memory_space<hbm>>
      tpu.enqueue_dma source(%dma_start3A_64 : memref<1024xf32, #tpu.memory_space<hbm>>) target(%arg12 : memref<1024xf32, #tpu.memory_space<vmem>>) target_semaphore(%run_scoped3A : memref<!tpu.dma_semaphore, #tpu.memory_space<semaphore_mem>>)
      %dma_wait3A = arith.constant 0 : i32
      %dma_wait3A_65 = tpu.memref_slice %arg5[%select_n3A, %dma_wait3A] : memref<4x8192xf32, #tpu.memory_space<hbm>> -> memref<1x8192xf32, #tpu.memory_space<hbm>>
      %dma_wait3A_66 = tpu.memref_squeeze %dma_wait3A_65 : memref<1x8192xf32, #tpu.memory_space<hbm>> -> memref<8192xf32, #tpu.memory_space<hbm>>
      %dma_wait3A_67 = tpu.memref_slice %dma_wait3A_66[%mul3A_34] : memref<8192xf32, #tpu.memory_space<hbm>> -> memref<1024xf32, #tpu.memory_space<hbm>>
      %dma_wait3A_68 = arith.constant 0 : i32
      %dma_wait3A_69 = tpu.memref_slice %arg5[%select_n3A, %dma_wait3A_68] : memref<4x8192xf32, #tpu.memory_space<hbm>> -> memref<1x8192xf32, #tpu.memory_space<hbm>>
      %dma_wait3A_70 = tpu.memref_squeeze %dma_wait3A_69 : memref<1x8192xf32, #tpu.memory_space<hbm>> -> memref<8192xf32, #tpu.memory_space<hbm>>
      %dma_wait3A_71 = tpu.memref_slice %dma_wait3A_70[%mul3A_34] : memref<8192xf32, #tpu.memory_space<hbm>> -> memref<1024xf32, #tpu.memory_space<hbm>>
      tpu.wait_dma2 semaphore(%run_scoped3A : memref<!tpu.dma_semaphore, #tpu.memory_space<semaphore_mem>>) src(%dma_wait3A_71 : memref<1024xf32, #tpu.memory_space<hbm>>) dst(%arg12 : memref<1024xf32, #tpu.memory_space<vmem>>)
      tpu.yield
    }) : () -> ()
    %iota3A = tpu.iota {dimensions = array<i32: 0>} : vector<16xi32>
    %broadcast_in_dim3A = arith.constant 0 : i32
    %broadcast_in_dim3A_35 = vector.broadcast %broadcast_in_dim3A : i32 to vector<16xi32>
    %broadcast_in_dim3A_36 = arith.constant 1 : i32
    %broadcast_in_dim3A_37 = vector.broadcast %broadcast_in_dim3A_36 : i32 to vector<16xi32>
    %broadcast_in_dim3A_38 = arith.constant 2 : i32
    %broadcast_in_dim3A_39 = vector.broadcast %broadcast_in_dim3A_38 : i32 to vector<16xi32>
    %scan3A = arith.constant 0 : i32
    %scan3A_40 = arith.constant 0 : i32
    %scan3A_41 = arith.constant 64 : i32
    %scan3A_42 = arith.addi %scan3A_40, %scan3A_41 : i32
    %scan3A_43 = arith.constant 1 : i32
    %scan3A_44 = scf.for %scan3A_58 = %scan3A_40 to %scan3A_42 step %scan3A_43 iter_args(%scan3A_59 = %scan3A) -> (i32)  : i32 {
      %mul3A_60 = arith.constant 16 : i32
      %mul3A_61 = arith.muli %scan3A_58, %mul3A_60 : i32
      %broadcast_in_dim3A_62 = vector.broadcast %mul3A_61 : i32 to vector<16xi32>
      %gather3A = tpu.vector_load_idx %arg12[%broadcast_in_dim3A_62] : memref<1024xf32, #tpu.memory_space<vmem>>[vector<16xi32>], vector<16xf32>,
      %add3A_63 = arith.constant 1 : i32
      %add3A_64 = vector.broadcast %add3A_63 : i32 to vector<16xi32>
      %add3A_65 = arith.addi %broadcast_in_dim3A_62, %add3A_64 : vector<16xi32>
      %gather3A_66 = tpu.vector_load_idx %arg12[%add3A_65] : memref<1024xf32, #tpu.memory_space<vmem>>[vector<16xi32>], vector<16xf32>,
      %add3A_67 = arith.constant 2 : i32
      %add3A_68 = vector.broadcast %add3A_67 : i32 to vector<16xi32>
      %add3A_69 = arith.addi %broadcast_in_dim3A_62, %add3A_68 : vector<16xi32>
      %gather3A_70 = tpu.vector_load_idx %arg12[%add3A_69] : memref<1024xf32, #tpu.memory_space<vmem>>[vector<16xi32>], vector<16xf32>,
      %mul3A_71 = arith.mulf %gather3A, %gather3A : vector<16xf32>
      %mul3A_72 = arith.mulf %gather3A_66, %gather3A_66 : vector<16xf32>
      %add3A_73 = arith.addf %mul3A_71, %mul3A_72 : vector<16xf32>
      %mul3A_74 = arith.mulf %gather3A_70, %gather3A_70 : vector<16xf32>
      %add3A_75 = arith.addf %add3A_73, %mul3A_74 : vector<16xf32>
      %bitcast3A = vector.bitcast %gather3A : vector<16xf32> to vector<16xi32>
      %shift_right_logical3A = arith.constant 16 : i32
      %shift_right_logical3A_76 = vector.broadcast %shift_right_logical3A : i32 to vector<16xi32>
      %shift_right_logical3A_77 = arith.shrui %bitcast3A, %shift_right_logical3A_76 : vector<16xi32>
      %and3A_78 = arith.constant 1 : i32
      %and3A_79 = vector.broadcast %and3A_78 : i32 to vector<16xi32>
      %and3A_80 = arith.andi %shift_right_logical3A_77, %and3A_79 : vector<16xi32>
      %add3A_81 = arith.constant 32767 : i32
      %add3A_82 = vector.broadcast %add3A_81 : i32 to vector<16xi32>
      %add3A_83 = arith.addi %add3A_82, %and3A_80 : vector<16xi32>
      %add3A_84 = arith.addi %bitcast3A, %add3A_83 : vector<16xi32>
      %and3A_85 = arith.constant -65536 : i32
      %and3A_86 = vector.broadcast %and3A_85 : i32 to vector<16xi32>
      %and3A_87 = arith.andi %add3A_84, %and3A_86 : vector<16xi32>
      %bitcast3A_88 = vector.bitcast %and3A_87 : vector<16xi32> to vector<16xf32>
      %bitcast3A_89 = vector.bitcast %gather3A_66 : vector<16xf32> to vector<16xi32>
      %shift_right_logical3A_90 = arith.constant 16 : i32
      %shift_right_logical3A_91 = vector.broadcast %shift_right_logical3A_90 : i32 to vector<16xi32>
      %shift_right_logical3A_92 = arith.shrui %bitcast3A_89, %shift_right_logical3A_91 : vector<16xi32>
      %and3A_93 = arith.constant 1 : i32
      %and3A_94 = vector.broadcast %and3A_93 : i32 to vector<16xi32>
      %and3A_95 = arith.andi %shift_right_logical3A_92, %and3A_94 : vector<16xi32>
      %add3A_96 = arith.constant 32767 : i32
      %add3A_97 = vector.broadcast %add3A_96 : i32 to vector<16xi32>
      %add3A_98 = arith.addi %add3A_97, %and3A_95 : vector<16xi32>
      %add3A_99 = arith.addi %bitcast3A_89, %add3A_98 : vector<16xi32>
      %and3A_100 = arith.constant -65536 : i32
      %and3A_101 = vector.broadcast %and3A_100 : i32 to vector<16xi32>
      %and3A_102 = arith.andi %add3A_99, %and3A_101 : vector<16xi32>
      %bitcast3A_103 = vector.bitcast %and3A_102 : vector<16xi32> to vector<16xf32>
      %bitcast3A_104 = vector.bitcast %gather3A_70 : vector<16xf32> to vector<16xi32>
      %shift_right_logical3A_105 = arith.constant 16 : i32
      %shift_right_logical3A_106 = vector.broadcast %shift_right_logical3A_105 : i32 to vector<16xi32>
      %shift_right_logical3A_107 = arith.shrui %bitcast3A_104, %shift_right_logical3A_106 : vector<16xi32>
      %and3A_108 = arith.constant 1 : i32
      %and3A_109 = vector.broadcast %and3A_108 : i32 to vector<16xi32>
      %and3A_110 = arith.andi %shift_right_logical3A_107, %and3A_109 : vector<16xi32>
      %add3A_111 = arith.constant 32767 : i32
      %add3A_112 = vector.broadcast %add3A_111 : i32 to vector<16xi32>
      %add3A_113 = arith.addi %add3A_112, %and3A_110 : vector<16xi32>
      %add3A_114 = arith.addi %bitcast3A_104, %add3A_113 : vector<16xi32>
      %and3A_115 = arith.constant -65536 : i32
      %and3A_116 = vector.broadcast %and3A_115 : i32 to vector<16xi32>
      %and3A_117 = arith.andi %add3A_114, %and3A_116 : vector<16xi32>
      %bitcast3A_118 = vector.bitcast %and3A_117 : vector<16xi32> to vector<16xf32>
      %while3A = arith.constant 0 : i32
      %while3A_119 = arith.constant 0 : i32
      %while3A_120:2 = scf.while (%while3A_246 = %while3A, %while3A_247 = %while3A_119) : (i32, i32) -> (i32, i32) {
        %lt3A_248 = arith.constant 32 : i32
        %lt3A_249 = arith.cmpi slt, %while3A_246, %lt3A_248 : i32
        %lt3A_250 = arith.constant 128 : i32
        %lt3A_251 = arith.cmpi slt, %while3A_247, %lt3A_250 : i32
        %and3A_252 = arith.andi %lt3A_249, %lt3A_251 : i1
        scf.condition(%and3A_252) %while3A_246, %while3A_247 : i32, i32
      } do {
      ^bb0(%while3A_246: i32, %while3A_247: i32):
        %mul3A_248 = arith.constant 64 : i32
        %mul3A_249 = arith.muli %while3A_247, %mul3A_248 : i32
        %add3A_250 = arith.constant 0 : i32
        %add3A_251 = arith.addi %mul3A_249, %add3A_250 : i32
        %get3A_252 = arith.index_cast %add3A_251 : i32 to index
        %get3A_253 = tpu.vector_load %arg10[%get3A_252] {strides = array<i32>} : memref<24576xf32, #tpu.memory_space<vmem>>, vector<16xf32>,
        %add3A_254 = arith.constant 8192 : i32
        %add3A_255 = arith.addi %add3A_254, %add3A_251 : i32
        %get3A_256 = arith.index_cast %add3A_255 : i32 to index
        %get3A_257 = tpu.vector_load %arg10[%get3A_256] {strides = array<i32>} : memref<24576xf32, #tpu.memory_space<vmem>>, vector<16xf32>,
        %add3A_258 = arith.constant 16384 : i32
        %add3A_259 = arith.addi %add3A_258, %add3A_251 : i32
        %get3A_260 = arith.index_cast %add3A_259 : i32 to index
        %get3A_261 = tpu.vector_load %arg10[%get3A_260] {strides = array<i32>} : memref<24576xf32, #tpu.memory_space<vmem>>, vector<16xf32>,
        %get3A_262 = arith.index_cast %add3A_251 : i32 to index
        %get3A_263 = tpu.vector_load %arg11[%get3A_262] {strides = array<i32>} : memref<8192xf32, #tpu.memory_space<vmem>>, vector<16xf32>,
        %mul3A_264 = arith.mulf %bitcast3A_88, %get3A_253 : vector<16xf32>
        %mul3A_265 = arith.mulf %bitcast3A_103, %get3A_257 : vector<16xf32>
        %add3A_266 = arith.addf %mul3A_264, %mul3A_265 : vector<16xf32>
        %mul3A_267 = arith.mulf %bitcast3A_118, %get3A_261 : vector<16xf32>
        %add3A_268 = arith.addf %add3A_266, %mul3A_267 : vector<16xf32>
        %add3A_269 = arith.addf %add3A_75, %get3A_263 : vector<16xf32>
        %mul3A_270 = arith.constant 2.000000e+00 : f32
        %mul3A_271 = vector.broadcast %mul3A_270 : f32 to vector<16xf32>
        %mul3A_272 = arith.mulf %mul3A_271, %add3A_268 : vector<16xf32>
        %sub3A_273 = arith.subf %add3A_269, %mul3A_272 : vector<16xf32>
        %le3A = arith.constant 4.000000e-02 : f32
        %le3A_274 = vector.broadcast %le3A : f32 to vector<16xf32>
        %le3A_275 = arith.cmpf ole, %sub3A_273, %le3A_274 : vector<16xf32>
        %add3A_276 = arith.constant 16 : i32
        %add3A_277 = arith.addi %mul3A_249, %add3A_276 : i32
        %get3A_278 = arith.index_cast %add3A_277 : i32 to index
        %get3A_279 = tpu.vector_load %arg10[%get3A_278] {strides = array<i32>} : memref<24576xf32, #tpu.memory_space<vmem>>, vector<16xf32>,
        %add3A_280 = arith.constant 8192 : i32
        %add3A_281 = arith.addi %add3A_280, %add3A_277 : i32
        %get3A_282 = arith.index_cast %add3A_281 : i32 to index
        %get3A_283 = tpu.vector_load %arg10[%get3A_282] {strides = array<i32>} : memref<24576xf32, #tpu.memory_space<vmem>>, vector<16xf32>,
        %add3A_284 = arith.constant 16384 : i32
        %add3A_285 = arith.addi %add3A_284, %add3A_277 : i32
        %get3A_286 = arith.index_cast %add3A_285 : i32 to index
        %get3A_287 = tpu.vector_load %arg10[%get3A_286] {strides = array<i32>} : memref<24576xf32, #tpu.memory_space<vmem>>, vector<16xf32>,
        %get3A_288 = arith.index_cast %add3A_277 : i32 to index
        %get3A_289 = tpu.vector_load %arg11[%get3A_288] {strides = array<i32>} : memref<8192xf32, #tpu.memory_space<vmem>>, vector<16xf32>,
        %mul3A_290 = arith.mulf %bitcast3A_88, %get3A_279 : vector<16xf32>
        %mul3A_291 = arith.mulf %bitcast3A_103, %get3A_283 : vector<16xf32>
        %add3A_292 = arith.addf %mul3A_290, %mul3A_291 : vector<16xf32>
        %mul3A_293 = arith.mulf %bitcast3A_118, %get3A_287 : vector<16xf32>
        %add3A_294 = arith.addf %add3A_292, %mul3A_293 : vector<16xf32>
        %add3A_295 = arith.addf %add3A_75, %get3A_289 : vector<16xf32>
        %mul3A_296 = arith.constant 2.000000e+00 : f32
        %mul3A_297 = vector.broadcast %mul3A_296 : f32 to vector<16xf32>
        %mul3A_298 = arith.mulf %mul3A_297, %add3A_294 : vector<16xf32>
        %sub3A_299 = arith.subf %add3A_295, %mul3A_298 : vector<16xf32>
        %le3A_300 = arith.constant 4.000000e-02 : f32
        %le3A_301 = vector.broadcast %le3A_300 : f32 to vector<16xf32>
        %le3A_302 = arith.cmpf ole, %sub3A_299, %le3A_301 : vector<16xf32>
        %add3A_303 = arith.constant 32 : i32
        %add3A_304 = arith.addi %mul3A_249, %add3A_303 : i32
        %get3A_305 = arith.index_cast %add3A_304 : i32 to index
        %get3A_306 = tpu.vector_load %arg10[%get3A_305] {strides = array<i32>} : memref<24576xf32, #tpu.memory_space<vmem>>, vector<16xf32>,
        %add3A_307 = arith.constant 8192 : i32
        %add3A_308 = arith.addi %add3A_307, %add3A_304 : i32
        %get3A_309 = arith.index_cast %add3A_308 : i32 to index
        %get3A_310 = tpu.vector_load %arg10[%get3A_309] {strides = array<i32>} : memref<24576xf32, #tpu.memory_space<vmem>>, vector<16xf32>,
        %add3A_311 = arith.constant 16384 : i32
        %add3A_312 = arith.addi %add3A_311, %add3A_304 : i32
        %get3A_313 = arith.index_cast %add3A_312 : i32 to index
        %get3A_314 = tpu.vector_load %arg10[%get3A_313] {strides = array<i32>} : memref<24576xf32, #tpu.memory_space<vmem>>, vector<16xf32>,
        %get3A_315 = arith.index_cast %add3A_304 : i32 to index
        %get3A_316 = tpu.vector_load %arg11[%get3A_315] {strides = array<i32>} : memref<8192xf32, #tpu.memory_space<vmem>>, vector<16xf32>,
        %mul3A_317 = arith.mulf %bitcast3A_88, %get3A_306 : vector<16xf32>
        %mul3A_318 = arith.mulf %bitcast3A_103, %get3A_310 : vector<16xf32>
        %add3A_319 = arith.addf %mul3A_317, %mul3A_318 : vector<16xf32>
        %mul3A_320 = arith.mulf %bitcast3A_118, %get3A_314 : vector<16xf32>
        %add3A_321 = arith.addf %add3A_319, %mul3A_320 : vector<16xf32>
        %add3A_322 = arith.addf %add3A_75, %get3A_316 : vector<16xf32>
        %mul3A_323 = arith.constant 2.000000e+00 : f32
        %mul3A_324 = vector.broadcast %mul3A_323 : f32 to vector<16xf32>
        %mul3A_325 = arith.mulf %mul3A_324, %add3A_321 : vector<16xf32>
        %sub3A_326 = arith.subf %add3A_322, %mul3A_325 : vector<16xf32>
        %le3A_327 = arith.constant 4.000000e-02 : f32
        %le3A_328 = vector.broadcast %le3A_327 : f32 to vector<16xf32>
        %le3A_329 = arith.cmpf ole, %sub3A_326, %le3A_328 : vector<16xf32>
        %add3A_330 = arith.constant 48 : i32
        %add3A_331 = arith.addi %mul3A_249, %add3A_330 : i32
        %get3A_332 = arith.index_cast %add3A_331 : i32 to index
        %get3A_333 = tpu.vector_load %arg10[%get3A_332] {strides = array<i32>} : memref<24576xf32, #tpu.memory_space<vmem>>, vector<16xf32>,
        %add3A_334 = arith.constant 8192 : i32
        %add3A_335 = arith.addi %add3A_334, %add3A_331 : i32
        %get3A_336 = arith.index_cast %add3A_335 : i32 to index
        %get3A_337 = tpu.vector_load %arg10[%get3A_336] {strides = array<i32>} : memref<24576xf32, #tpu.memory_space<vmem>>, vector<16xf32>,
        %add3A_338 = arith.constant 16384 : i32
        %add3A_339 = arith.addi %add3A_338, %add3A_331 : i32
        %get3A_340 = arith.index_cast %add3A_339 : i32 to index
        %get3A_341 = tpu.vector_load %arg10[%get3A_340] {strides = array<i32>} : memref<24576xf32, #tpu.memory_space<vmem>>, vector<16xf32>,
        %get3A_342 = arith.index_cast %add3A_331 : i32 to index
        %get3A_343 = tpu.vector_load %arg11[%get3A_342] {strides = array<i32>} : memref<8192xf32, #tpu.memory_space<vmem>>, vector<16xf32>,
        %mul3A_344 = arith.mulf %bitcast3A_88, %get3A_333 : vector<16xf32>
        %mul3A_345 = arith.mulf %bitcast3A_103, %get3A_337 : vector<16xf32>
        %add3A_346 = arith.addf %mul3A_344, %mul3A_345 : vector<16xf32>
        %mul3A_347 = arith.mulf %bitcast3A_118, %get3A_341 : vector<16xf32>
        %add3A_348 = arith.addf %add3A_346, %mul3A_347 : vector<16xf32>
        %add3A_349 = arith.addf %add3A_75, %get3A_343 : vector<16xf32>
        %mul3A_350 = arith.constant 2.000000e+00 : f32
        %mul3A_351 = vector.broadcast %mul3A_350 : f32 to vector<16xf32>
        %mul3A_352 = arith.mulf %mul3A_351, %add3A_348 : vector<16xf32>
        %sub3A_353 = arith.subf %add3A_349, %mul3A_352 : vector<16xf32>
        %le3A_354 = arith.constant 4.000000e-02 : f32
        %le3A_355 = vector.broadcast %le3A_354 : f32 to vector<16xf32>
        %le3A_356 = arith.cmpf ole, %sub3A_353, %le3A_355 : vector<16xf32>
        %convert_element_type3A = arith.extui %le3A_275 : vector<16xi1> to vector<16xi32>
        %reduce_sum3A = arith.constant true
        %reduce_sum3A_357 = vector.broadcast %reduce_sum3A : i1 to vector<16xi1>
        %reduce_sum3A_358 = tpu.scan <sum>, %convert_element_type3A masked %reduce_sum3A_357 : vector<16xi32>, vector<16xi1> -> vector<16xi32>
        %reduce_sum3A_359 = vector.extract %reduce_sum3A_358[15] : i32 from vector<16xi32>
        %convert_element_type3A_360 = arith.extui %le3A_302 : vector<16xi1> to vector<16xi32>
        %reduce_sum3A_361 = arith.constant true
        %reduce_sum3A_362 = vector.broadcast %reduce_sum3A_361 : i1 to vector<16xi1>
        %reduce_sum3A_363 = tpu.scan <sum>, %convert_element_type3A_360 masked %reduce_sum3A_362 : vector<16xi32>, vector<16xi1> -> vector<16xi32>
        %reduce_sum3A_364 = vector.extract %reduce_sum3A_363[15] : i32 from vector<16xi32>
        %convert_element_type3A_365 = arith.extui %le3A_329 : vector<16xi1> to vector<16xi32>
        %reduce_sum3A_366 = arith.constant true
        %reduce_sum3A_367 = vector.broadcast %reduce_sum3A_366 : i1 to vector<16xi1>
        %reduce_sum3A_368 = tpu.scan <sum>, %convert_element_type3A_365 masked %reduce_sum3A_367 : vector<16xi32>, vector<16xi1> -> vector<16xi32>
        %reduce_sum3A_369 = vector.extract %reduce_sum3A_368[15] : i32 from vector<16xi32>
        %convert_element_type3A_370 = arith.extui %le3A_356 : vector<16xi1> to vector<16xi32>
        %reduce_sum3A_371 = arith.constant true
        %reduce_sum3A_372 = vector.broadcast %reduce_sum3A_371 : i1 to vector<16xi1>
        %reduce_sum3A_373 = tpu.scan <sum>, %convert_element_type3A_370 masked %reduce_sum3A_372 : vector<16xi32>, vector<16xi1> -> vector<16xi32>
        %reduce_sum3A_374 = vector.extract %reduce_sum3A_373[15] : i32 from vector<16xi32>
        %add3A_375 = arith.constant 0 : i32
        %add3A_376 = arith.addi %mul3A_249, %add3A_375 : i32
        %add3A_377 = vector.broadcast %add3A_376 : i32 to vector<16xi32>
        %add3A_378 = arith.addi %iota3A, %add3A_377 : vector<16xi32>
        %swap3A_379 = arith.index_cast %while3A_246 : i32 to index
        %swap3A_380 = tpu.vector_load %arg13[%swap3A_379] masked %le3A_275 {strides = array<i32>} : memref<96xi32, #tpu.memory_space<vmem>>, vector<16xi32>, vector<16xi1>
        tpu.vector_store %arg13[%swap3A_379], %add3A_378 masked %le3A_275 {strides = array<i32>} : memref<96xi32, #tpu.memory_space<vmem>>, vector<16xi32>, vector<16xi1>
        %add3A_381 = arith.addi %while3A_246, %reduce_sum3A_359 : i32
        %add3A_382 = arith.constant 16 : i32
        %add3A_383 = arith.addi %mul3A_249, %add3A_382 : i32
        %add3A_384 = vector.broadcast %add3A_383 : i32 to vector<16xi32>
        %add3A_385 = arith.addi %iota3A, %add3A_384 : vector<16xi32>
        %swap3A_386 = arith.index_cast %add3A_381 : i32 to index
        %swap3A_387 = tpu.vector_load %arg13[%swap3A_386] masked %le3A_302 {strides = array<i32>} : memref<96xi32, #tpu.memory_space<vmem>>, vector<16xi32>, vector<16xi1>
        tpu.vector_store %arg13[%swap3A_386], %add3A_385 masked %le3A_302 {strides = array<i32>} : memref<96xi32, #tpu.memory_space<vmem>>, vector<16xi32>, vector<16xi1>
        %add3A_388 = arith.addi %add3A_381, %reduce_sum3A_364 : i32
        %add3A_389 = arith.constant 32 : i32
        %add3A_390 = arith.addi %mul3A_249, %add3A_389 : i32
        %add3A_391 = vector.broadcast %add3A_390 : i32 to vector<16xi32>
        %add3A_392 = arith.addi %iota3A, %add3A_391 : vector<16xi32>
        %swap3A_393 = arith.index_cast %add3A_388 : i32 to index
        %swap3A_394 = tpu.vector_load %arg13[%swap3A_393] masked %le3A_329 {strides = array<i32>} : memref<96xi32, #tpu.memory_space<vmem>>, vector<16xi32>, vector<16xi1>
        tpu.vector_store %arg13[%swap3A_393], %add3A_392 masked %le3A_329 {strides = array<i32>} : memref<96xi32, #tpu.memory_space<vmem>>, vector<16xi32>, vector<16xi1>
        %add3A_395 = arith.addi %add3A_388, %reduce_sum3A_369 : i32
        %add3A_396 = arith.constant 48 : i32
        %add3A_397 = arith.addi %mul3A_249, %add3A_396 : i32
        %add3A_398 = vector.broadcast %add3A_397 : i32 to vector<16xi32>
        %add3A_399 = arith.addi %iota3A, %add3A_398 : vector<16xi32>
        %swap3A_400 = arith.index_cast %add3A_395 : i32 to index
        %swap3A_401 = tpu.vector_load %arg13[%swap3A_400] masked %le3A_356 {strides = array<i32>} : memref<96xi32, #tpu.memory_space<vmem>>, vector<16xi32>, vector<16xi1>
        tpu.vector_store %arg13[%swap3A_400], %add3A_399 masked %le3A_356 {strides = array<i32>} : memref<96xi32, #tpu.memory_space<vmem>>, vector<16xi32>, vector<16xi1>
        %add3A_402 = arith.addi %add3A_395, %reduce_sum3A_374 : i32
        %add3A_403 = arith.constant 1 : i32
        %add3A_404 = arith.addi %while3A_247, %add3A_403 : i32
        scf.yield %add3A_402, %add3A_404 : i32, i32
      }
      %get3A = arith.constant 0 : index
      %get3A_121 = tpu.vector_load %arg13[%get3A] {strides = array<i32>} : memref<96xi32, #tpu.memory_space<vmem>>, vector<16xi32>,
      %eq3A_122 = arith.constant 0 : i32
      %eq3A_123 = vector.broadcast %eq3A_122 : i32 to vector<16xi32>
      %eq3A_124 = arith.cmpi eq, %iota3A, %eq3A_123 : vector<16xi32>
      %jit3A_125 = arith.constant 2147483647 : i32
      %broadcast_in_dim3A_126 = vector.broadcast %jit3A_125 : i32 to vector<16xi32>
      %select_n3A_127 = arith.select %eq3A_124, %get3A_121, %broadcast_in_dim3A_126 : vector<16xi1>, vector<16xi32>
      %reduce_min3A = arith.constant true
      %reduce_min3A_128 = vector.broadcast %reduce_min3A : i1 to vector<16xi1>
      %reduce_min3A_129 = arith.constant -2147483648 : i32
      %reduce_min3A_130 = vector.broadcast %reduce_min3A_129 : i32 to vector<16xi32>
      %reduce_min3A_131 = arith.xori %select_n3A_127, %reduce_min3A_130 : vector<16xi32>
      %reduce_min3A_132 = tpu.scan <min>, %reduce_min3A_131 masked %reduce_min3A_128 : vector<16xi32>, vector<16xi1> -> vector<16xi32>
      %reduce_min3A_133 = arith.xori %reduce_min3A_132, %reduce_min3A_130 : vector<16xi32>
      %reduce_min3A_134 = vector.extract %reduce_min3A_133[15] : i32 from vector<16xi32>
      %get3A_135 = arith.constant 0 : index
      %get3A_136 = tpu.vector_load %arg13[%get3A_135] {strides = array<i32>} : memref<96xi32, #tpu.memory_space<vmem>>, vector<16xi32>,
      %add3A_137 = arith.constant 0 : i32
      %add3A_138 = vector.broadcast %add3A_137 : i32 to vector<16xi32>
      %add3A_139 = arith.addi %iota3A, %add3A_138 : vector<16xi32>
      %lt3A_140 = vector.broadcast %while3A_120#0 : i32 to vector<16xi32>
      %lt3A_141 = arith.cmpi slt, %add3A_139, %lt3A_140 : vector<16xi32>
      %broadcast_in_dim3A_142 = vector.broadcast %reduce_min3A_134 : i32 to vector<16xi32>
      %select_n3A_143 = arith.select %lt3A_141, %get3A_136, %broadcast_in_dim3A_142 : vector<16xi1>, vector<16xi32>
      %swap3A = arith.constant 0 : index
      %swap3A_144 = tpu.vector_load %arg13[%swap3A] {strides = array<i32>} : memref<96xi32, #tpu.memory_space<vmem>>, vector<16xi32>,
      tpu.vector_store %arg13[%swap3A], %select_n3A_143 {strides = array<i32>} : memref<96xi32, #tpu.memory_space<vmem>>, vector<16xi32>,
      %get3A_145 = arith.constant 16 : index
      %get3A_146 = tpu.vector_load %arg13[%get3A_145] {strides = array<i32>} : memref<96xi32, #tpu.memory_space<vmem>>, vector<16xi32>,
      %add3A_147 = arith.constant 16 : i32
      %add3A_148 = vector.broadcast %add3A_147 : i32 to vector<16xi32>
      %add3A_149 = arith.addi %iota3A, %add3A_148 : vector<16xi32>
      %lt3A_150 = vector.broadcast %while3A_120#0 : i32 to vector<16xi32>
      %lt3A_151 = arith.cmpi slt, %add3A_149, %lt3A_150 : vector<16xi32>
      %broadcast_in_dim3A_152 = vector.broadcast %reduce_min3A_134 : i32 to vector<16xi32>
      %select_n3A_153 = arith.select %lt3A_151, %get3A_146, %broadcast_in_dim3A_152 : vector<16xi1>, vector<16xi32>
      %swap3A_154 = arith.constant 16 : index
      %swap3A_155 = tpu.vector_load %arg13[%swap3A_154] {strides = array<i32>} : memref<96xi32, #tpu.memory_space<vmem>>, vector<16xi32>,
      tpu.vector_store %arg13[%swap3A_154], %select_n3A_153 {strides = array<i32>} : memref<96xi32, #tpu.memory_space<vmem>>, vector<16xi32>,
      %get3A_156 = arith.constant 0 : index
      %get3A_157 = tpu.vector_load %arg13[%get3A_156] {strides = array<i32>} : memref<96xi32, #tpu.memory_space<vmem>>, vector<16xi32>,
      %gather3A_158 = tpu.vector_load_idx %arg9[%get3A_157] : memref<24576xf32, #tpu.memory_space<vmem>>[vector<16xi32>], vector<16xf32>,
      %add3A_159 = arith.constant 8192 : i32
      %add3A_160 = vector.broadcast %add3A_159 : i32 to vector<16xi32>
      %add3A_161 = arith.addi %get3A_157, %add3A_160 : vector<16xi32>
      %gather3A_162 = tpu.vector_load_idx %arg9[%add3A_161] : memref<24576xf32, #tpu.memory_space<vmem>>[vector<16xi32>], vector<16xf32>,
      %add3A_163 = arith.constant 16384 : i32
      %add3A_164 = vector.broadcast %add3A_163 : i32 to vector<16xi32>
      %add3A_165 = arith.addi %get3A_157, %add3A_164 : vector<16xi32>
      %gather3A_166 = tpu.vector_load_idx %arg9[%add3A_165] : memref<24576xf32, #tpu.memory_space<vmem>>[vector<16xi32>], vector<16xf32>,
      %sub3A_167 = arith.subf %gather3A_158, %gather3A : vector<16xf32>
      %mul3A_168 = arith.constant 32 : i32
      %mul3A_169 = arith.muli %scan3A_58, %mul3A_168 : i32
      %add3A_170 = arith.constant 0 : i32
      %add3A_171 = arith.addi %mul3A_169, %add3A_170 : i32
      %swap3A_172 = arith.index_cast %add3A_171 : i32 to index
      %swap3A_173 = tpu.vector_load %arg15[%swap3A_172] {strides = array<i32>} : memref<6144xf32, #tpu.memory_space<vmem>>, vector<16xf32>,
      tpu.vector_store %arg15[%swap3A_172], %sub3A_167 {strides = array<i32>} : memref<6144xf32, #tpu.memory_space<vmem>>, vector<16xf32>,
      %sub3A_174 = arith.subf %gather3A_162, %gather3A_66 : vector<16xf32>
      %mul3A_175 = arith.constant 32 : i32
      %mul3A_176 = arith.muli %scan3A_58, %mul3A_175 : i32
      %add3A_177 = arith.constant 2048 : i32
      %add3A_178 = arith.addi %add3A_177, %mul3A_176 : i32
      %add3A_179 = arith.constant 0 : i32
      %add3A_180 = arith.addi %add3A_178, %add3A_179 : i32
      %swap3A_181 = arith.index_cast %add3A_180 : i32 to index
      %swap3A_182 = tpu.vector_load %arg15[%swap3A_181] {strides = array<i32>} : memref<6144xf32, #tpu.memory_space<vmem>>, vector<16xf32>,
      tpu.vector_store %arg15[%swap3A_181], %sub3A_174 {strides = array<i32>} : memref<6144xf32, #tpu.memory_space<vmem>>, vector<16xf32>,
      %sub3A_183 = arith.subf %gather3A_166, %gather3A_70 : vector<16xf32>
      %mul3A_184 = arith.constant 32 : i32
      %mul3A_185 = arith.muli %scan3A_58, %mul3A_184 : i32
      %add3A_186 = arith.constant 4096 : i32
      %add3A_187 = arith.addi %add3A_186, %mul3A_185 : i32
      %add3A_188 = arith.constant 0 : i32
      %add3A_189 = arith.addi %add3A_187, %add3A_188 : i32
      %swap3A_190 = arith.index_cast %add3A_189 : i32 to index
      %swap3A_191 = tpu.vector_load %arg15[%swap3A_190] {strides = array<i32>} : memref<6144xf32, #tpu.memory_space<vmem>>, vector<16xf32>,
      tpu.vector_store %arg15[%swap3A_190], %sub3A_183 {strides = array<i32>} : memref<6144xf32, #tpu.memory_space<vmem>>, vector<16xf32>,
      %get3A_192 = arith.constant 16 : index
      %get3A_193 = tpu.vector_load %arg13[%get3A_192] {strides = array<i32>} : memref<96xi32, #tpu.memory_space<vmem>>, vector<16xi32>,
      %gather3A_194 = tpu.vector_load_idx %arg9[%get3A_193] : memref<24576xf32, #tpu.memory_space<vmem>>[vector<16xi32>], vector<16xf32>,
      %add3A_195 = arith.constant 8192 : i32
      %add3A_196 = vector.broadcast %add3A_195 : i32 to vector<16xi32>
      %add3A_197 = arith.addi %get3A_193, %add3A_196 : vector<16xi32>
      %gather3A_198 = tpu.vector_load_idx %arg9[%add3A_197] : memref<24576xf32, #tpu.memory_space<vmem>>[vector<16xi32>], vector<16xf32>,
      %add3A_199 = arith.constant 16384 : i32
      %add3A_200 = vector.broadcast %add3A_199 : i32 to vector<16xi32>
      %add3A_201 = arith.addi %get3A_193, %add3A_200 : vector<16xi32>
      %gather3A_202 = tpu.vector_load_idx %arg9[%add3A_201] : memref<24576xf32, #tpu.memory_space<vmem>>[vector<16xi32>], vector<16xf32>,
      %sub3A_203 = arith.subf %gather3A_194, %gather3A : vector<16xf32>
      %mul3A_204 = arith.constant 32 : i32
      %mul3A_205 = arith.muli %scan3A_58, %mul3A_204 : i32
      %add3A_206 = arith.constant 16 : i32
      %add3A_207 = arith.addi %mul3A_205, %add3A_206 : i32
      %swap3A_208 = arith.index_cast %add3A_207 : i32 to index
      %swap3A_209 = tpu.vector_load %arg15[%swap3A_208] {strides = array<i32>} : memref<6144xf32, #tpu.memory_space<vmem>>, vector<16xf32>,
      tpu.vector_store %arg15[%swap3A_208], %sub3A_203 {strides = array<i32>} : memref<6144xf32, #tpu.memory_space<vmem>>, vector<16xf32>,
      %sub3A_210 = arith.subf %gather3A_198, %gather3A_66 : vector<16xf32>
      %mul3A_211 = arith.constant 32 : i32
      %mul3A_212 = arith.muli %scan3A_58, %mul3A_211 : i32
      %add3A_213 = arith.constant 2048 : i32
      %add3A_214 = arith.addi %add3A_213, %mul3A_212 : i32
      %add3A_215 = arith.constant 16 : i32
      %add3A_216 = arith.addi %add3A_214, %add3A_215 : i32
      %swap3A_217 = arith.index_cast %add3A_216 : i32 to index
      %swap3A_218 = tpu.vector_load %arg15[%swap3A_217] {strides = array<i32>} : memref<6144xf32, #tpu.memory_space<vmem>>, vector<16xf32>,
      tpu.vector_store %arg15[%swap3A_217], %sub3A_210 {strides = array<i32>} : memref<6144xf32, #tpu.memory_space<vmem>>, vector<16xf32>,
      %sub3A_219 = arith.subf %gather3A_202, %gather3A_70 : vector<16xf32>
      %mul3A_220 = arith.constant 32 : i32
      %mul3A_221 = arith.muli %scan3A_58, %mul3A_220 : i32
      %add3A_222 = arith.constant 4096 : i32
      %add3A_223 = arith.addi %add3A_222, %mul3A_221 : i32
      %add3A_224 = arith.constant 16 : i32
      %add3A_225 = arith.addi %add3A_223, %add3A_224 : i32
      %swap3A_226 = arith.index_cast %add3A_225 : i32 to index
      %swap3A_227 = tpu.vector_load %arg15[%swap3A_226] {strides = array<i32>} : memref<6144xf32, #tpu.memory_space<vmem>>, vector<16xf32>,
      tpu.vector_store %arg15[%swap3A_226], %sub3A_219 {strides = array<i32>} : memref<6144xf32, #tpu.memory_space<vmem>>, vector<16xf32>,
      %dma_start3A = arith.constant 0 : i32
      %dma_start3A_228 = tpu.memref_slice %arg13[%dma_start3A] : memref<96xi32, #tpu.memory_space<vmem>> -> memref<32xi32, #tpu.memory_space<vmem>>
      %dma_start3A_229 = arith.constant 0 : i32
      %dma_start3A_230 = arith.constant 0 : i32
      %dma_start3A_231 = tpu.memref_slice %arg6[%select_n3A, %dma_start3A_229, %dma_start3A_230] : memref<4x8192x128xf32, #tpu.memory_space<hbm>> -> memref<1x8192x128xf32, #tpu.memory_space<hbm>>
      %dma_start3A_232 = tpu.memref_squeeze %dma_start3A_231 : memref<1x8192x128xf32, #tpu.memory_space<hbm>> -> memref<8192x128xf32, #tpu.memory_space<hbm>>
      %dma_start3A_233 = arith.constant 0 : i32
      %dma_start3A_234 = arith.constant 0 : i32
      %dma_start3A_235 = tpu.memref_slice %dma_start3A_232[%dma_start3A_233, %dma_start3A_234] : memref<8192x128xf32, #tpu.memory_space<hbm>> -> memref<8192x128xf32, #tpu.memory_space<hbm>>
      tpu.enqueue_indirect_dma source(%dma_start3A_235 : memref<8192x128xf32, #tpu.memory_space<hbm>>) target(%arg14 : memref<32x128xf32, #tpu.memory_space<vmem>>) offsets(%dma_start3A_228 : memref<32xi32, #tpu.memory_space<vmem>>) semaphore(%arg16 : memref<!tpu.dma_semaphore, #tpu.memory_space<semaphore_mem>>)
      %dma_wait3A = arith.constant 0 : i32
      %dma_wait3A_236 = tpu.memref_slice %arg13[%dma_wait3A] : memref<96xi32, #tpu.memory_space<vmem>> -> memref<32xi32, #tpu.memory_space<vmem>>
      %dma_wait3A_237 = arith.constant 0 : i32
      %dma_wait3A_238 = arith.constant 0 : i32
      %dma_wait3A_239 = tpu.memref_slice %arg6[%select_n3A, %dma_wait3A_237, %dma_wait3A_238] : memref<4x8192x128xf32, #tpu.memory_space<hbm>> -> memref<1x8192x128xf32, #tpu.memory_space<hbm>>
      %dma_wait3A_240 = tpu.memref_squeeze %dma_wait3A_239 : memref<1x8192x128xf32, #tpu.memory_space<hbm>> -> memref<8192x128xf32, #tpu.memory_space<hbm>>
      %dma_wait3A_241 = arith.constant 0 : i32
      %dma_wait3A_242 = arith.constant 0 : i32
      %dma_wait3A_243 = tpu.memref_slice %dma_wait3A_240[%dma_wait3A_241, %dma_wait3A_242] : memref<8192x128xf32, #tpu.memory_space<hbm>> -> memref<8192x128xf32, #tpu.memory_space<hbm>>
      tpu.wait_indirect_dma semaphore(%arg16 : memref<!tpu.dma_semaphore, #tpu.memory_space<semaphore_mem>>) src(%dma_wait3A_243 : memref<8192x128xf32, #tpu.memory_space<hbm>>) dst(%arg14 : memref<32x128xf32, #tpu.memory_space<vmem>>)
      %add3A_244 = arith.addi %mul3A_32, %scan3A_58 : i32
      "tpu.region"() ({
        %run_scoped3A = tpu.sem_alloc : memref<!tpu.dma_semaphore, #tpu.memory_space<semaphore_mem>>
        %dma_start3A_246 = arith.constant 0 : i32
        %dma_start3A_247 = arith.constant 0 : i32
        %dma_start3A_248 = arith.constant 0 : i32
        %dma_start3A_249 = tpu.memref_slice %arg7[%select_n3A, %dma_start3A_246, %dma_start3A_247, %dma_start3A_248] : memref<4x512x32x128xf32, #tpu.memory_space<hbm>> -> memref<1x512x32x128xf32, #tpu.memory_space<hbm>>
        %dma_start3A_250 = tpu.memref_squeeze %dma_start3A_249 : memref<1x512x32x128xf32, #tpu.memory_space<hbm>> -> memref<512x32x128xf32, #tpu.memory_space<hbm>>
        %dma_start3A_251 = arith.constant 0 : i32
        %dma_start3A_252 = arith.constant 0 : i32
        %dma_start3A_253 = tpu.memref_slice %dma_start3A_250[%add3A_244, %dma_start3A_251, %dma_start3A_252] : memref<512x32x128xf32, #tpu.memory_space<hbm>> -> memref<1x32x128xf32, #tpu.memory_space<hbm>>
        %dma_start3A_254 = tpu.memref_squeeze %dma_start3A_253 : memref<1x32x128xf32, #tpu.memory_space<hbm>> -> memref<32x128xf32, #tpu.memory_space<hbm>>
        %dma_start3A_255 = arith.constant 0 : i32
        %dma_start3A_256 = arith.constant 0 : i32
        %dma_start3A_257 = arith.constant 0 : i32
        %dma_start3A_258 = tpu.memref_slice %arg7[%select_n3A, %dma_start3A_255, %dma_start3A_256, %dma_start3A_257] : memref<4x512x32x128xf32, #tpu.memory_space<hbm>> -> memref<1x512x32x128xf32, #tpu.memory_space<hbm>>
        %dma_start3A_259 = tpu.memref_squeeze %dma_start3A_258 : memref<1x512x32x128xf32, #tpu.memory_space<hbm>> -> memref<512x32x128xf32, #tpu.memory_space<hbm>>
        %dma_start3A_260 = arith.constant 0 : i32
        %dma_start3A_261 = arith.constant 0 : i32
        %dma_start3A_262 = tpu.memref_slice %dma_start3A_259[%add3A_244, %dma_start3A_260, %dma_start3A_261] : memref<512x32x128xf32, #tpu.memory_space<hbm>> -> memref<1x32x128xf32, #tpu.memory_space<hbm>>
        %dma_start3A_263 = tpu.memref_squeeze %dma_start3A_262 : memref<1x32x128xf32, #tpu.memory_space<hbm>> -> memref<32x128xf32, #tpu.memory_space<hbm>>
        tpu.enqueue_dma source(%arg14 : memref<32x128xf32, #tpu.memory_space<vmem>>) target(%dma_start3A_263 : memref<32x128xf32, #tpu.memory_space<hbm>>) target_semaphore(%run_scoped3A : memref<!tpu.dma_semaphore, #tpu.memory_space<semaphore_mem>>)
        %dma_wait3A_264 = arith.constant 0 : i32
        %dma_wait3A_265 = arith.constant 0 : i32
        %dma_wait3A_266 = arith.constant 0 : i32
        %dma_wait3A_267 = tpu.memref_slice %arg7[%select_n3A, %dma_wait3A_264, %dma_wait3A_265, %dma_wait3A_266] : memref<4x512x32x128xf32, #tpu.memory_space<hbm>> -> memref<1x512x32x128xf32, #tpu.memory_space<hbm>>
        %dma_wait3A_268 = tpu.memref_squeeze %dma_wait3A_267 : memref<1x512x32x128xf32, #tpu.memory_space<hbm>> -> memref<512x32x128xf32, #tpu.memory_space<hbm>>
        %dma_wait3A_269 = arith.constant 0 : i32
        %dma_wait3A_270 = arith.constant 0 : i32
        %dma_wait3A_271 = tpu.memref_slice %dma_wait3A_268[%add3A_244, %dma_wait3A_269, %dma_wait3A_270] : memref<512x32x128xf32, #tpu.memory_space<hbm>> -> memref<1x32x128xf32, #tpu.memory_space<hbm>>
        %dma_wait3A_272 = tpu.memref_squeeze %dma_wait3A_271 : memref<1x32x128xf32, #tpu.memory_space<hbm>> -> memref<32x128xf32, #tpu.memory_space<hbm>>
        %dma_wait3A_273 = arith.constant 0 : i32
        %dma_wait3A_274 = arith.constant 0 : i32
        %dma_wait3A_275 = arith.constant 0 : i32
        %dma_wait3A_276 = tpu.memref_slice %arg7[%select_n3A, %dma_wait3A_273, %dma_wait3A_274, %dma_wait3A_275] : memref<4x512x32x128xf32, #tpu.memory_space<hbm>> -> memref<1x512x32x128xf32, #tpu.memory_space<hbm>>
        %dma_wait3A_277 = tpu.memref_squeeze %dma_wait3A_276 : memref<1x512x32x128xf32, #tpu.memory_space<hbm>> -> memref<512x32x128xf32, #tpu.memory_space<hbm>>
        %dma_wait3A_278 = arith.constant 0 : i32
        %dma_wait3A_279 = arith.constant 0 : i32
        %dma_wait3A_280 = tpu.memref_slice %dma_wait3A_277[%add3A_244, %dma_wait3A_278, %dma_wait3A_279] : memref<512x32x128xf32, #tpu.memory_space<hbm>> -> memref<1x32x128xf32, #tpu.memory_space<hbm>>
        %dma_wait3A_281 = tpu.memref_squeeze %dma_wait3A_280 : memref<1x32x128xf32, #tpu.memory_space<hbm>> -> memref<32x128xf32, #tpu.memory_space<hbm>>
        tpu.wait_dma2 semaphore(%run_scoped3A : memref<!tpu.dma_semaphore, #tpu.memory_space<semaphore_mem>>) src(%arg14 : memref<32x128xf32, #tpu.memory_space<vmem>>) dst(%dma_wait3A_281 : memref<32x128xf32, #tpu.memory_space<hbm>>)
        tpu.yield
      }) : () -> ()
      %scan3A_245 = arith.constant 0 : i32
      scf.yield %scan3A_245 : i32
    }
    %scan3A_45 = arith.constant 64 : i32
    %mul3A_46 = arith.constant 32 : i32
    %mul3A_47 = arith.muli %mul3A_32, %mul3A_46 : i32
    %add3A_48 = arith.constant 0 : i32
    %add3A_49 = arith.addi %add3A_48, %mul3A_47 : i32
    "tpu.region"() ({
      %run_scoped3A = tpu.sem_alloc : memref<!tpu.dma_semaphore, #tpu.memory_space<semaphore_mem>>
      %dma_start3A = arith.constant 0 : i32
      %dma_start3A_58 = tpu.memref_slice %arg15[%dma_start3A] : memref<6144xf32, #tpu.memory_space<vmem>> -> memref<2048xf32, #tpu.memory_space<vmem>>
      %dma_start3A_59 = arith.constant 0 : i32
      %dma_start3A_60 = tpu.memref_slice %arg8[%select_n3A, %dma_start3A_59] : memref<4x49152xf32, #tpu.memory_space<hbm>> -> memref<1x49152xf32, #tpu.memory_space<hbm>>
      %dma_start3A_61 = tpu.memref_squeeze %dma_start3A_60 : memref<1x49152xf32, #tpu.memory_space<hbm>> -> memref<49152xf32, #tpu.memory_space<hbm>>
      %dma_start3A_62 = tpu.memref_slice %dma_start3A_61[%add3A_49] : memref<49152xf32, #tpu.memory_space<hbm>> -> memref<2048xf32, #tpu.memory_space<hbm>>
      %dma_start3A_63 = arith.constant 0 : i32
      %dma_start3A_64 = tpu.memref_slice %arg8[%select_n3A, %dma_start3A_63] : memref<4x49152xf32, #tpu.memory_space<hbm>> -> memref<1x49152xf32, #tpu.memory_space<hbm>>
      %dma_start3A_65 = tpu.memref_squeeze %dma_start3A_64 : memref<1x49152xf32, #tpu.memory_space<hbm>> -> memref<49152xf32, #tpu.memory_space<hbm>>
      %dma_start3A_66 = tpu.memref_slice %dma_start3A_65[%add3A_49] : memref<49152xf32, #tpu.memory_space<hbm>> -> memref<2048xf32, #tpu.memory_space<hbm>>
      %dma_start3A_67 = arith.constant 0 : i32
      %dma_start3A_68 = tpu.memref_slice %arg15[%dma_start3A_67] : memref<6144xf32, #tpu.memory_space<vmem>> -> memref<2048xf32, #tpu.memory_space<vmem>>
      tpu.enqueue_dma source(%dma_start3A_68 : memref<2048xf32, #tpu.memory_space<vmem>>) target(%dma_start3A_66 : memref<2048xf32, #tpu.memory_space<hbm>>) target_semaphore(%run_scoped3A : memref<!tpu.dma_semaphore, #tpu.memory_space<semaphore_mem>>)
      %dma_wait3A = arith.constant 0 : i32
      %dma_wait3A_69 = tpu.memref_slice %arg15[%dma_wait3A] : memref<6144xf32, #tpu.memory_space<vmem>> -> memref<2048xf32, #tpu.memory_space<vmem>>
      %dma_wait3A_70 = arith.constant 0 : i32
      %dma_wait3A_71 = tpu.memref_slice %arg8[%select_n3A, %dma_wait3A_70] : memref<4x49152xf32, #tpu.memory_space<hbm>> -> memref<1x49152xf32, #tpu.memory_space<hbm>>
      %dma_wait3A_72 = tpu.memref_squeeze %dma_wait3A_71 : memref<1x49152xf32, #tpu.memory_space<hbm>> -> memref<49152xf32, #tpu.memory_space<hbm>>
      %dma_wait3A_73 = tpu.memref_slice %dma_wait3A_72[%add3A_49] : memref<49152xf32, #tpu.memory_space<hbm>> -> memref<2048xf32, #tpu.memory_space<hbm>>
      %dma_wait3A_74 = arith.constant 0 : i32
      %dma_wait3A_75 = tpu.memref_slice %arg8[%select_n3A, %dma_wait3A_74] : memref<4x49152xf32, #tpu.memory_space<hbm>> -> memref<1x49152xf32, #tpu.memory_space<hbm>>
      %dma_wait3A_76 = tpu.memref_squeeze %dma_wait3A_75 : memref<1x49152xf32, #tpu.memory_space<hbm>> -> memref<49152xf32, #tpu.memory_space<hbm>>
      %dma_wait3A_77 = tpu.memref_slice %dma_wait3A_76[%add3A_49] : memref<49152xf32, #tpu.memory_space<hbm>> -> memref<2048xf32, #tpu.memory_space<hbm>>
      %dma_wait3A_78 = arith.constant 0 : i32
      %dma_wait3A_79 = tpu.memref_slice %arg15[%dma_wait3A_78] : memref<6144xf32, #tpu.memory_space<vmem>> -> memref<2048xf32, #tpu.memory_space<vmem>>
      tpu.wait_dma2 semaphore(%run_scoped3A : memref<!tpu.dma_semaphore, #tpu.memory_space<semaphore_mem>>) src(%dma_wait3A_79 : memref<2048xf32, #tpu.memory_space<vmem>>) dst(%dma_wait3A_77 : memref<2048xf32, #tpu.memory_space<hbm>>)
      tpu.yield
    }) : () -> ()
    %mul3A_50 = arith.constant 32 : i32
    %mul3A_51 = arith.muli %mul3A_32, %mul3A_50 : i32
    %add3A_52 = arith.constant 16384 : i32
    %add3A_53 = arith.addi %add3A_52, %mul3A_51 : i32
    "tpu.region"() ({
      %run_scoped3A = tpu.sem_alloc : memref<!tpu.dma_semaphore, #tpu.memory_space<semaphore_mem>>
      %dma_start3A = arith.constant 2048 : i32
      %dma_start3A_58 = tpu.memref_slice %arg15[%dma_start3A] : memref<6144xf32, #tpu.memory_space<vmem>> -> memref<2048xf32, #tpu.memory_space<vmem>>
      %dma_start3A_59 = arith.constant 0 : i32
      %dma_start3A_60 = tpu.memref_slice %arg8[%select_n3A, %dma_start3A_59] : memref<4x49152xf32, #tpu.memory_space<hbm>> -> memref<1x49152xf32, #tpu.memory_space<hbm>>
      %dma_start3A_61 = tpu.memref_squeeze %dma_start3A_60 : memref<1x49152xf32, #tpu.memory_space<hbm>> -> memref<49152xf32, #tpu.memory_space<hbm>>
      %dma_start3A_62 = tpu.memref_slice %dma_start3A_61[%add3A_53] : memref<49152xf32, #tpu.memory_space<hbm>> -> memref<2048xf32, #tpu.memory_space<hbm>>
      %dma_start3A_63 = arith.constant 0 : i32
      %dma_start3A_64 = tpu.memref_slice %arg8[%select_n3A, %dma_start3A_63] : memref<4x49152xf32, #tpu.memory_space<hbm>> -> memref<1x49152xf32, #tpu.memory_space<hbm>>
      %dma_start3A_65 = tpu.memref_squeeze %dma_start3A_64 : memref<1x49152xf32, #tpu.memory_space<hbm>> -> memref<49152xf32, #tpu.memory_space<hbm>>
      %dma_start3A_66 = tpu.memref_slice %dma_start3A_65[%add3A_53] : memref<49152xf32, #tpu.memory_space<hbm>> -> memref<2048xf32, #tpu.memory_space<hbm>>
      %dma_start3A_67 = arith.constant 2048 : i32
      %dma_start3A_68 = tpu.memref_slice %arg15[%dma_start3A_67] : memref<6144xf32, #tpu.memory_space<vmem>> -> memref<2048xf32, #tpu.memory_space<vmem>>
      tpu.enqueue_dma source(%dma_start3A_68 : memref<2048xf32, #tpu.memory_space<vmem>>) target(%dma_start3A_66 : memref<2048xf32, #tpu.memory_space<hbm>>) target_semaphore(%run_scoped3A : memref<!tpu.dma_semaphore, #tpu.memory_space<semaphore_mem>>)
      %dma_wait3A = arith.constant 2048 : i32
      %dma_wait3A_69 = tpu.memref_slice %arg15[%dma_wait3A] : memref<6144xf32, #tpu.memory_space<vmem>> -> memref<2048xf32, #tpu.memory_space<vmem>>
      %dma_wait3A_70 = arith.constant 0 : i32
      %dma_wait3A_71 = tpu.memref_slice %arg8[%select_n3A, %dma_wait3A_70] : memref<4x49152xf32, #tpu.memory_space<hbm>> -> memref<1x49152xf32, #tpu.memory_space<hbm>>
      %dma_wait3A_72 = tpu.memref_squeeze %dma_wait3A_71 : memref<1x49152xf32, #tpu.memory_space<hbm>> -> memref<49152xf32, #tpu.memory_space<hbm>>
      %dma_wait3A_73 = tpu.memref_slice %dma_wait3A_72[%add3A_53] : memref<49152xf32, #tpu.memory_space<hbm>> -> memref<2048xf32, #tpu.memory_space<hbm>>
      %dma_wait3A_74 = arith.constant 0 : i32
      %dma_wait3A_75 = tpu.memref_slice %arg8[%select_n3A, %dma_wait3A_74] : memref<4x49152xf32, #tpu.memory_space<hbm>> -> memref<1x49152xf32, #tpu.memory_space<hbm>>
      %dma_wait3A_76 = tpu.memref_squeeze %dma_wait3A_75 : memref<1x49152xf32, #tpu.memory_space<hbm>> -> memref<49152xf32, #tpu.memory_space<hbm>>
      %dma_wait3A_77 = tpu.memref_slice %dma_wait3A_76[%add3A_53] : memref<49152xf32, #tpu.memory_space<hbm>> -> memref<2048xf32, #tpu.memory_space<hbm>>
      %dma_wait3A_78 = arith.constant 2048 : i32
      %dma_wait3A_79 = tpu.memref_slice %arg15[%dma_wait3A_78] : memref<6144xf32, #tpu.memory_space<vmem>> -> memref<2048xf32, #tpu.memory_space<vmem>>
      tpu.wait_dma2 semaphore(%run_scoped3A : memref<!tpu.dma_semaphore, #tpu.memory_space<semaphore_mem>>) src(%dma_wait3A_79 : memref<2048xf32, #tpu.memory_space<vmem>>) dst(%dma_wait3A_77 : memref<2048xf32, #tpu.memory_space<hbm>>)
      tpu.yield
    }) : () -> ()
    %mul3A_54 = arith.constant 32 : i32
    %mul3A_55 = arith.muli %mul3A_32, %mul3A_54 : i32
    %add3A_56 = arith.constant 32768 : i32
    %add3A_57 = arith.addi %add3A_56, %mul3A_55 : i32
    "tpu.region"() ({
      %run_scoped3A = tpu.sem_alloc : memref<!tpu.dma_semaphore, #tpu.memory_space<semaphore_mem>>
      %dma_start3A = arith.constant 4096 : i32
      %dma_start3A_58 = tpu.memref_slice %arg15[%dma_start3A] : memref<6144xf32, #tpu.memory_space<vmem>> -> memref<2048xf32, #tpu.memory_space<vmem>>
      %dma_start3A_59 = arith.constant 0 : i32
      %dma_start3A_60 = tpu.memref_slice %arg8[%select_n3A, %dma_start3A_59] : memref<4x49152xf32, #tpu.memory_space<hbm>> -> memref<1x49152xf32, #tpu.memory_space<hbm>>
      %dma_start3A_61 = tpu.memref_squeeze %dma_start3A_60 : memref<1x49152xf32, #tpu.memory_space<hbm>> -> memref<49152xf32, #tpu.memory_space<hbm>>
      %dma_start3A_62 = tpu.memref_slice %dma_start3A_61[%add3A_57] : memref<49152xf32, #tpu.memory_space<hbm>> -> memref<2048xf32, #tpu.memory_space<hbm>>
      %dma_start3A_63 = arith.constant 0 : i32
      %dma_start3A_64 = tpu.memref_slice %arg8[%select_n3A, %dma_start3A_63] : memref<4x49152xf32, #tpu.memory_space<hbm>> -> memref<1x49152xf32, #tpu.memory_space<hbm>>
      %dma_start3A_65 = tpu.memref_squeeze %dma_start3A_64 : memref<1x49152xf32, #tpu.memory_space<hbm>> -> memref<49152xf32, #tpu.memory_space<hbm>>
      %dma_start3A_66 = tpu.memref_slice %dma_start3A_65[%add3A_57] : memref<49152xf32, #tpu.memory_space<hbm>> -> memref<2048xf32, #tpu.memory_space<hbm>>
      %dma_start3A_67 = arith.constant 4096 : i32
      %dma_start3A_68 = tpu.memref_slice %arg15[%dma_start3A_67] : memref<6144xf32, #tpu.memory_space<vmem>> -> memref<2048xf32, #tpu.memory_space<vmem>>
      tpu.enqueue_dma source(%dma_start3A_68 : memref<2048xf32, #tpu.memory_space<vmem>>) target(%dma_start3A_66 : memref<2048xf32, #tpu.memory_space<hbm>>) target_semaphore(%run_scoped3A : memref<!tpu.dma_semaphore, #tpu.memory_space<semaphore_mem>>)
      %dma_wait3A = arith.constant 4096 : i32
      %dma_wait3A_69 = tpu.memref_slice %arg15[%dma_wait3A] : memref<6144xf32, #tpu.memory_space<vmem>> -> memref<2048xf32, #tpu.memory_space<vmem>>
      %dma_wait3A_70 = arith.constant 0 : i32
      %dma_wait3A_71 = tpu.memref_slice %arg8[%select_n3A, %dma_wait3A_70] : memref<4x49152xf32, #tpu.memory_space<hbm>> -> memref<1x49152xf32, #tpu.memory_space<hbm>>
      %dma_wait3A_72 = tpu.memref_squeeze %dma_wait3A_71 : memref<1x49152xf32, #tpu.memory_space<hbm>> -> memref<49152xf32, #tpu.memory_space<hbm>>
      %dma_wait3A_73 = tpu.memref_slice %dma_wait3A_72[%add3A_57] : memref<49152xf32, #tpu.memory_space<hbm>> -> memref<2048xf32, #tpu.memory_space<hbm>>
      %dma_wait3A_74 = arith.constant 0 : i32
      %dma_wait3A_75 = tpu.memref_slice %arg8[%select_n3A, %dma_wait3A_74] : memref<4x49152xf32, #tpu.memory_space<hbm>> -> memref<1x49152xf32, #tpu.memory_space<hbm>>
      %dma_wait3A_76 = tpu.memref_squeeze %dma_wait3A_75 : memref<1x49152xf32, #tpu.memory_space<hbm>> -> memref<49152xf32, #tpu.memory_space<hbm>>
      %dma_wait3A_77 = tpu.memref_slice %dma_wait3A_76[%add3A_57] : memref<49152xf32, #tpu.memory_space<hbm>> -> memref<2048xf32, #tpu.memory_space<hbm>>
      %dma_wait3A_78 = arith.constant 4096 : i32
      %dma_wait3A_79 = tpu.memref_slice %arg15[%dma_wait3A_78] : memref<6144xf32, #tpu.memory_space<vmem>> -> memref<2048xf32, #tpu.memory_space<vmem>>
      tpu.wait_dma2 semaphore(%run_scoped3A : memref<!tpu.dma_semaphore, #tpu.memory_space<semaphore_mem>>) src(%dma_wait3A_79 : memref<2048xf32, #tpu.memory_space<vmem>>) dst(%dma_wait3A_77 : memref<2048xf32, #tpu.memory_space<hbm>>)
      tpu.yield
    }) : () -> ()
    return
  }
}

module attributes {stable_mosaic.version = 14 : i64} {
  func.func @_fps_kernel(%arg0: memref<4x3x8x1024xf32, #tpu.memory_space<vmem>>, %arg1: memref<4x512x16xf32, #tpu.memory_space<vmem>>, %arg2: memref<4x8x1024xf32, #tpu.memory_space<vmem>>) attributes {dimension_semantics = [], scalar_prefetch = 0 : i64, scratch_operands = 0 : i64, tpu.core_type = #tpu.core_type<tc>} {
    %get3A = arith.constant 0 : index
    %get3A_0 = arith.constant 0 : index
    %get3A_1 = arith.constant 0 : index
    %get3A_2 = arith.constant 0 : index
    %get3A_3 = vector.load %arg0[%get3A, %get3A_0, %get3A_1, %get3A_2] : memref<4x3x8x1024xf32, #tpu.memory_space<vmem>>, vector<4x1x8x1024xf32>
    %get3A_4 = vector.shape_cast %get3A_3 : vector<4x1x8x1024xf32> to vector<4x8x1024xf32>
    %get3A_5 = arith.constant 0 : index
    %get3A_6 = arith.constant 1 : index
    %get3A_7 = arith.constant 0 : index
    %get3A_8 = arith.constant 0 : index
    %get3A_9 = vector.load %arg0[%get3A_5, %get3A_6, %get3A_7, %get3A_8] : memref<4x3x8x1024xf32, #tpu.memory_space<vmem>>, vector<4x1x8x1024xf32>
    %get3A_10 = vector.shape_cast %get3A_9 : vector<4x1x8x1024xf32> to vector<4x8x1024xf32>
    %get3A_11 = arith.constant 0 : index
    %get3A_12 = arith.constant 2 : index
    %get3A_13 = arith.constant 0 : index
    %get3A_14 = arith.constant 0 : index
    %get3A_15 = vector.load %arg0[%get3A_11, %get3A_12, %get3A_13, %get3A_14] : memref<4x3x8x1024xf32, #tpu.memory_space<vmem>>, vector<4x1x8x1024xf32>
    %get3A_16 = vector.shape_cast %get3A_15 : vector<4x1x8x1024xf32> to vector<4x8x1024xf32>
    %mul3A = arith.mulf %get3A_4, %get3A_4 : vector<4x8x1024xf32>
    %mul3A_17 = arith.mulf %get3A_10, %get3A_10 : vector<4x8x1024xf32>
    %add3A = arith.addf %mul3A, %mul3A_17 : vector<4x8x1024xf32>
    %mul3A_18 = arith.mulf %get3A_16, %get3A_16 : vector<4x8x1024xf32>
    %add3A_19 = arith.addf %add3A, %mul3A_18 : vector<4x8x1024xf32>
    %swap3A = arith.constant 0 : index
    %swap3A_20 = arith.constant 0 : index
    %swap3A_21 = arith.constant 0 : index
    %swap3A_22 = vector.load %arg2[%swap3A, %swap3A_20, %swap3A_21] : memref<4x8x1024xf32, #tpu.memory_space<vmem>>, vector<4x8x1024xf32>
    tpu.vector_store %arg2[%swap3A, %swap3A_20, %swap3A_21], %add3A_19 {strides = array<i32>} : memref<4x8x1024xf32, #tpu.memory_space<vmem>>, vector<4x8x1024xf32>,
    %iota3A = tpu.iota {dimensions = array<i32: 1>} : vector<4x8x1024xi32>
    %iota3A_23 = tpu.iota {dimensions = array<i32: 2>} : vector<4x8x1024xi32>
    %mul3A_24 = arith.constant 1024 : i32
    %mul3A_25 = vector.broadcast %mul3A_24 : i32 to vector<4x8x1024xi32>
    %mul3A_26 = arith.muli %iota3A, %mul3A_25 : vector<4x8x1024xi32>
    %add3A_27 = arith.addi %mul3A_26, %iota3A_23 : vector<4x8x1024xi32>
    %broadcast_in_dim3A = arith.constant 1.000000e+10 : f32
    %broadcast_in_dim3A_28 = vector.broadcast %broadcast_in_dim3A : f32 to vector<4x8x1024xf32>
    %broadcast_in_dim3A_29 = arith.constant 0 : i32
    %broadcast_in_dim3A_30 = vector.broadcast %broadcast_in_dim3A_29 : i32 to vector<4x1x1xi32>
    %scan3A = arith.constant 0 : i32
    %scan3A_31 = arith.constant 512 : i32
    %scan3A_32 = arith.addi %scan3A, %scan3A_31 : i32
    %scan3A_33 = arith.constant 1 : i32
    %scan3A_34:2 = scf.for %scan3A_36 = %scan3A to %scan3A_32 step %scan3A_33 iter_args(%scan3A_37 = %broadcast_in_dim3A_28, %scan3A_38 = %broadcast_in_dim3A_30) -> (vector<4x8x1024xf32>, vector<4x1x1xi32>)  : i32 {
      %eq3A = vector.broadcast %scan3A_38 : vector<4x1x1xi32> to vector<4x8x1024xi32>
      %eq3A_39 = arith.cmpi eq, %add3A_27, %eq3A : vector<4x8x1024xi32>
      %jit3A = arith.constant 0.000000e+00 : f32
      %broadcast_in_dim3A_40 = vector.broadcast %jit3A : f32 to vector<4x8x1024xf32>
      %select_n3A = arith.select %eq3A_39, %get3A_4, %broadcast_in_dim3A_40 : vector<4x8x1024xi1>, vector<4x8x1024xf32>
      %reduce_sum3A = arith.constant dense<0.000000e+00> : vector<4xf32>
      %reduce_sum3A_41 = vector.multi_reduction <add>, %select_n3A, %reduce_sum3A [1, 2] : vector<4x8x1024xf32> to vector<4xf32>
      %broadcast_in_dim3A_42 = vector.shape_cast %reduce_sum3A_41 : vector<4xf32> to vector<4x1x1xf32>
      %jit3A_43 = arith.constant 0.000000e+00 : f32
      %broadcast_in_dim3A_44 = vector.broadcast %jit3A_43 : f32 to vector<4x8x1024xf32>
      %select_n3A_45 = arith.select %eq3A_39, %get3A_10, %broadcast_in_dim3A_44 : vector<4x8x1024xi1>, vector<4x8x1024xf32>
      %reduce_sum3A_46 = arith.constant dense<0.000000e+00> : vector<4xf32>
      %reduce_sum3A_47 = vector.multi_reduction <add>, %select_n3A_45, %reduce_sum3A_46 [1, 2] : vector<4x8x1024xf32> to vector<4xf32>
      %broadcast_in_dim3A_48 = vector.shape_cast %reduce_sum3A_47 : vector<4xf32> to vector<4x1x1xf32>
      %jit3A_49 = arith.constant 0.000000e+00 : f32
      %broadcast_in_dim3A_50 = vector.broadcast %jit3A_49 : f32 to vector<4x8x1024xf32>
      %select_n3A_51 = arith.select %eq3A_39, %get3A_16, %broadcast_in_dim3A_50 : vector<4x8x1024xi1>, vector<4x8x1024xf32>
      %reduce_sum3A_52 = arith.constant dense<0.000000e+00> : vector<4xf32>
      %reduce_sum3A_53 = vector.multi_reduction <add>, %select_n3A_51, %reduce_sum3A_52 [1, 2] : vector<4x8x1024xf32> to vector<4xf32>
      %broadcast_in_dim3A_54 = vector.shape_cast %reduce_sum3A_53 : vector<4xf32> to vector<4x1x1xf32>
      %sub3A = vector.broadcast %broadcast_in_dim3A_42 : vector<4x1x1xf32> to vector<4x8x1024xf32>
      %sub3A_55 = arith.subf %get3A_4, %sub3A : vector<4x8x1024xf32>
      %integer_pow3A = arith.mulf %sub3A_55, %sub3A_55 : vector<4x8x1024xf32>
      %sub3A_56 = vector.broadcast %broadcast_in_dim3A_48 : vector<4x1x1xf32> to vector<4x8x1024xf32>
      %sub3A_57 = arith.subf %get3A_10, %sub3A_56 : vector<4x8x1024xf32>
      %integer_pow3A_58 = arith.mulf %sub3A_57, %sub3A_57 : vector<4x8x1024xf32>
      %add3A_59 = arith.addf %integer_pow3A, %integer_pow3A_58 : vector<4x8x1024xf32>
      %sub3A_60 = vector.broadcast %broadcast_in_dim3A_54 : vector<4x1x1xf32> to vector<4x8x1024xf32>
      %sub3A_61 = arith.subf %get3A_16, %sub3A_60 : vector<4x8x1024xf32>
      %integer_pow3A_62 = arith.mulf %sub3A_61, %sub3A_61 : vector<4x8x1024xf32>
      %add3A_63 = arith.addf %add3A_59, %integer_pow3A_62 : vector<4x8x1024xf32>
      %min3A = arith.minimumf %scan3A_37, %add3A_63 : vector<4x8x1024xf32>
      %reduce_max3A = arith.constant dense<0xFF800000> : vector<4xf32>
      %reduce_max3A_64 = vector.multi_reduction <maximumf>, %min3A, %reduce_max3A [1, 2] : vector<4x8x1024xf32> to vector<4xf32>
      %broadcast_in_dim3A_65 = vector.shape_cast %reduce_max3A_64 : vector<4xf32> to vector<4x1x1xf32>
      %eq3A_66 = vector.broadcast %broadcast_in_dim3A_65 : vector<4x1x1xf32> to vector<4x8x1024xf32>
      %eq3A_67 = arith.cmpf oeq, %min3A, %eq3A_66 : vector<4x8x1024xf32>
      %jit3A_68 = arith.constant 8192 : i32
      %broadcast_in_dim3A_69 = vector.broadcast %jit3A_68 : i32 to vector<4x8x1024xi32>
      %select_n3A_70 = arith.select %eq3A_67, %add3A_27, %broadcast_in_dim3A_69 : vector<4x8x1024xi1>, vector<4x8x1024xi32>
      %reduce_min3A = arith.constant dense<2147483647> : vector<4xi32>
      %reduce_min3A_71 = vector.multi_reduction <minsi>, %select_n3A_70, %reduce_min3A [1, 2] : vector<4x8x1024xi32> to vector<4xi32>
      %broadcast_in_dim3A_72 = vector.shape_cast %reduce_min3A_71 : vector<4xi32> to vector<4x1x1xi32>
      %broadcast_in_dim3A_73 = arith.constant 0.000000e+00 : f32
      %broadcast_in_dim3A_74 = vector.broadcast %broadcast_in_dim3A_73 : f32 to vector<4x1x13xf32>
      %concatenate3A = tpu.concatenate %broadcast_in_dim3A_42, %broadcast_in_dim3A_48, %broadcast_in_dim3A_54, %broadcast_in_dim3A_74 in 2 : vector<4x1x1xf32>, vector<4x1x1xf32>, vector<4x1x1xf32>, vector<4x1x13xf32> -> vector<4x1x16xf32>
      %swap3A_75 = arith.constant 0 : index
      %swap3A_76 = arith.index_cast %scan3A_36 : i32 to index
      %swap3A_77 = arith.constant 0 : index
      %swap3A_78 = vector.load %arg1[%swap3A_75, %swap3A_76, %swap3A_77] : memref<4x512x16xf32, #tpu.memory_space<vmem>>, vector<4x1x16xf32>
      tpu.vector_store %arg1[%swap3A_75, %swap3A_76, %swap3A_77], %concatenate3A {strides = array<i32>} : memref<4x512x16xf32, #tpu.memory_space<vmem>>, vector<4x1x16xf32>,
      scf.yield %min3A, %broadcast_in_dim3A_72 : vector<4x8x1024xf32>, vector<4x1x1xi32>
    }
    %scan3A_35 = arith.constant 512 : i32
    return
  }
}

</mosaic_0001>

<sc_bundles>
// kernel: kernel.4.cloned.1.call-start
scs
__scs_entry_jumppad:
0x0: {  	(pc) =	sbr.rel $0x88, $3  }
0x1: {  	(tag) =	ssettag $0x0;
	lr =	simm.s32 $0x1  }
0x2: {  	[smem:$0x3F9F] =	sst lr;
	_ =	strace $0xD0000000  }
0x3: {  	_ = 	snop  }
0x4: {  	_ = 	snop  }
0x5: {  	_ = 	snop  }
0x6: {  	_ = 	snop  }
0x7: {  	_ = 	snop  }
__scs_overlays_trampoline_lowered:
0x8: {  	[smem:$0x3FAE] =	sst s0  }
0x9: {  	[smem:$0x3FAF] =	sst s1  }
0xa: {  	[smem:$0x3FB0] =	sst s2  }
0xb: {  	[smem:$0x3FB1] =	sst s3  }
0xc: {  	[smem:$0x3FB2] =	sst s4  }
0xd: {  	[smem:$0x3FB3] =	sst s5  }
0xe: {  	[smem:$0x3FB4] =	sst s6  }
0xf: {  	[smem:$0x3FB5] =	sst s7  }
0x10: {  	[smem:$0x3FB6] =	sst s8  }
0x11: {  	[smem:$0x3FB7] =	sst s9;
	s0 =	simm.s32 @!p0 $0x0  }
0x12: {  	s1 =	sld [smem:$0x3F9D];
	s0 =	simm.s32 @p0 $0x1  }
0x13: {  	[smem:$0x3FB8] =	sst s0;
	s0 =	simm.s32 @!p1 $0x0  }
0x14: {  	s2 =	sld [smem:$0x3F9C];
	s0 =	simm.s32 @p1 $0x1  }
0x15: {  	[smem:$0x3FB9] =	sst s0;
	s0 =	simm.s32 @!p2 $0x0  }
0x16: {  	s3 =	sld [smem:$0x3FDB];
	s0 =	simm.s32 @p2 $0x1  }
0x17: {  	s4 =	simm.s32 $0x1BF5;
	[smem:$0x3FBB] =	sst s0  }
0x18: {  	s0 =	sld [smem:$0x3F9E];
	_ =	swait.ge [sflag:s4], $0x0  }
0x19: {  	s7 =	sld [smem:$0x3F9F]  }
0x1a: {  	s8 =	sadd.s32 $0xFFFFE003, lr  }
0x1b: {  	s9 =	sadd.s32 $0xFFFFFEF7, lr;
	s5 =	simm.s32 $0xFFFFFFFF;
	p2 =	slt.u32 s8, $0xFFFFF086  }
0x1c: {  	p1 =	slt.u32 s9, $0xF7A;
	s5 =	simm.s32 @!p2 $0x0  }
0x1d: {  	s5 =	simm.s32 @p1 $0x1;
	p0 =	seq.s32 s7, s2  }
0x1e: {  	s7 =	smul.u32 @!p0 $0xF7A, s2;
	p2 =	seq.s32 @!p0 s5, $0x0  }
0x1f: {  	s9 =	smul.u32 $0xF7A, s1;
	s8 =	simm.s32 @!p0 $0x1BF5;
	p2 =	por !p2, p0  }
0x20: {  	[sflag:s8] =	ssyncset.s32 @!p0 $0xFFFFF086;
	s6 =	sadd.s32 @!p0 s3, s7;
	s7 =	simm.s32 @!p0 $0x108  }
0x21: {  	s3 =	sadd.s32 s3, s9;
	s6 =	sadd.s32 @!p0 $0x88, s6;
	s7 =	simm.s32 @p2 $0x1082  }
0x22: {  	[simem:s7], [sflag:s8] =	dma.local @!p0 [hbm:s6], $0xF7A  }
0x23: {  	s9 =	sor.u32 $0xD0000000, s2;
	s6 =	simm.s32 $0x108;
	_ =	swait.ge @!p0 [sflag:s8], $0x0  }
0x24: {  	s3 =	sadd.s32 $0x88, s3;
	s6 =	simm.s32 @!p1 $0x1082;
	[sflag:s4] =	ssyncset.s32 $0xFFFFF086  }
0x25: {  	[simem:s6], [sflag:s4] =	dma.local [hbm:s3], $0xF7A  }
0x26: {  	[smem:$0x3F9F] =	sst s1;
	(tag) =	ssettag s2;
	_ =	strace s9  }
0x27: {  	s1 =	sld [smem:$0x3FAF]  }
0x28: {  	s2 =	sld [smem:$0x3FB0]  }
0x29: {  	s4 =	sld [smem:$0x3FB2]  }
0x2a: {  	p0 =	seq.s32 s5, $0x0;
	s5 =	sld [smem:$0x3FB3]  }
0x2b: {  	s6 =	sld [smem:$0x3FB4]  }
0x2c: {  	s7 =	sld [smem:$0x3FB5]  }
0x2d: {  	s3 =	simm.s32 $0x108;
	s8 =	sld [smem:$0x3FB6]  }
0x2e: {  	s3 =	simm.s32 @!p0 $0x1082;
	s9 =	sld [smem:$0x3FB7]  }
0x2f: {  	lr =	sadd.s32 s0, s3;
	s0 =	sld [smem:$0x3FAE]  }
0x30: {  	s3 =	sld [smem:$0x3FB1]  }
0x31: {  	[smem:$0x3FBA] =	sst s10  }
0x32: {  	s10 =	sld [smem:$0x3FB8];
	_ =	sdelay $0x3  }
0x33: {  	p0 =	seq.s32 s10, $0x1;
	s10 =	sld [smem:$0x3FBA];
	_ =	sdelay $0x3  }
0x34: {  	[smem:$0x3FBA] =	sst s10  }
0x35: {  	s10 =	sld [smem:$0x3FB9];
	_ =	sdelay $0x3  }
0x36: {  	p1 =	seq.s32 s10, $0x1;
	s10 =	sld [smem:$0x3FBA];
	_ =	sdelay $0x3  }
0x37: {  	[smem:$0x3FBA] =	sst s10  }
0x38: {  	s10 =	sld [smem:$0x3FBB]  }
0x39: {  	_ = 	snop;
	(pc) =	sbr.ind lr, $3  }
0x3a: {  	_ = 	snop  }
0x3b: {  	_ = 	snop  }
0x3c: {  	p2 =	seq.s32 s10, $0x1;
	s10 =	sld [smem:$0x3FBA]  }
0x3d: {  	_ =	shalt  }
0x3e: {  	_ =	shalt  }
0x3f: {  	_ =	shalt  }
0x40: {  	_ =	shalt  }
0x41: {  	_ =	shalt  }
0x42: {  	_ =	shalt  }
0x43: {  	_ =	shalt  }
0x44: {  	_ =	shalt  }
0x45: {  	_ =	shalt  }
0x46: {  	_ =	shalt  }
0x47: {  	_ =	shalt  }
0x48: {  	_ =	shalt  }
0x49: {  	_ =	shalt  }
0x4a: {  	_ =	shalt  }
0x4b: {  	_ =	shalt  }
0x4c: {  	_ =	shalt  }
0x4d: {  	_ =	shalt  }
0x4e: {  	_ =	shalt  }
0x4f: {  	_ =	shalt  }
0x50: {  	_ =	shalt  }
0x51: {  	_ =	shalt  }
0x52: {  	_ =	shalt  }
0x53: {  	_ =	shalt  }
0x54: {  	_ =	shalt  }
0x55: {  	_ =	shalt  }
0x56: {  	_ =	shalt  }
0x57: {  	_ =	shalt  }
0x58: {  	_ =	shalt  }
0x59: {  	_ =	shalt  }
0x5a: {  	_ =	shalt  }
0x5b: {  	_ =	shalt  }
0x5c: {  	_ =	shalt  }
0x5d: {  	_ =	shalt  }
0x5e: {  	_ =	shalt  }
0x5f: {  	_ =	shalt  }
0x60: {  	_ =	shalt  }
0x61: {  	_ =	shalt  }
0x62: {  	_ =	shalt  }
0x63: {  	_ =	shalt  }
0x64: {  	_ =	shalt  }
0x65: {  	_ =	shalt  }
0x66: {  	_ =	shalt  }
0x67: {  	_ =	shalt  }
0x68: {  	_ =	shalt  }
0x69: {  	_ =	shalt  }
0x6a: {  	_ =	shalt  }
0x6b: {  	_ =	shalt  }
0x6c: {  	_ =	shalt  }
0x6d: {  	_ =	shalt  }
0x6e: {  	_ =	shalt  }
0x6f: {  	_ =	shalt  }
0x70: {  	_ =	shalt  }
0x71: {  	_ =	shalt  }
0x72: {  	_ =	shalt  }
0x73: {  	_ =	shalt  }
0x74: {  	_ =	shalt  }
0x75: {  	_ =	shalt  }
0x76: {  	_ =	shalt  }
0x77: {  	_ =	shalt  }
0x78: {  	_ =	shalt  }
0x79: {  	_ =	shalt  }
0x7a: {  	_ =	shalt  }
0x7b: {  	_ =	shalt  }
0x7c: {  	_ =	shalt  }
0x7d: {  	_ =	shalt  }
0x7e: {  	_ =	shalt  }
0x7f: {  	_ =	shalt  }
0x80: {  	_ =	shalt  }
0x81: {  	_ =	shalt  }
0x82: {  	_ =	shalt  }
0x83: {  	_ =	shalt  }
0x84: {  	_ =	shalt  }
0x85: {  	_ =	shalt  }
0x86: {  	_ =	shalt  }
0x87: {  	_ =	shalt  }
.Lfunc_end0:
.L_simem_size_0:
called_computation_lowered:
.L_overlay_start_0:
0x88: {  	s2 =	sld [smem:$0x3FD9]  }
0x89: {  	s3 =	sld [smem:$0x3FFE];
	_ =	sdelay $0x1  }
0x8a: {  	s1 =	srdreg.scid  }
0x8b: {  	s0 =	sand.u32 $0x1, s1  }
0x8c: {  	s14 =	sshll.u32 s0, $0xA;
	s2 =	sadd.s32 s3, s2  }
0x8d: {  	s2 =	sadd.s32 s2, s14  }
0x8e: {  	[smem:$0x3FC6] =	sst s2  }
0x8f: {  	_ = 	snop  }
0x90: {  	s2 =	sld [smem:$0x3FD0];
	_ =	sdelay $0x2  }
0x91: {  	s4 =	simm.s32 $0xA;
	s5 =	simm.s32 $0x10;
	s15 =	sld [smem:$0x3FC9]  }
0x92: {  	[smem:s5], [sflag:s4] =	dma.local [hbm:s2], $0x1  }
0x93: {  	_ =	swait.eq [sflag:s4], $0x1  }
0x94: {  	[sflag:s4] =	ssyncset.done $0x0  }
0x95: {  	[sflag:s4] =	ssyncadd.s32 $0xFFFFFFFF  }
0x96: {  	s16 =	sld [smem:$0x11];
	(tm) =	ssettm $0x1  }
0x97: {  	s17 =	sld [smem:$0x3FFB];
	_ =	sdelay $0x3  }
0x98: {  	_ =	strace s17  }
0x99: {  	s4 =	sld [smem:$0x3FFC];
	_ =	sdelay $0x3  }
0x9a: {  	_ =	strace s4  }
0x9b: {  	s4 =	sld [smem:$0x3FFD];
	_ =	sdelay $0x3  }
0x9c: {  	_ =	strace s4  }
0x9d: {  	_ =	strace $0x8FFFFFFF  }
0x9e: {  	s18 =	sld [smem:$0x3FDB];
	_ =	sdelay $0x1  }
0x9f: {  	s19 =	simm.s32 $_scs_section_size  }
0xa0: {  	s6 =	simm.s32 $_size__tile_overlayer_lowered;
	s7 =	simm.s32 $_tile_overlayer_lowered  }
0xa1: {  	s22 =	simm.s32 $0x1BFF;
	s21 =	sshll.u32 s7, $0x1;
	s4 =	sadd.s32 s19, s18  }
0xa2: {  	s8 =	simm.s32 $0x0;
	s20 =	sshll.u32 s6, $0x1;
	s6 =	sadd.s32 s21, s4  }
0xa3: {  	[timem:s8], [sflag:s22] =	dma.local [hbm:s6], s20  }
0xa4: {  	_ =	swait.ge [sflag:s22], s20  }
0xa5: {  	s5 =	ssub.s32 $0x0, s20;
	[sflag:s22] =	ssyncset.done $0x0  }
0xa6: {  	[sflag:s22] =	ssyncadd.s32 s5;
	_ =	sdelay $0x1  }
0xa7: {  	s23 =	simm.s32 $0x1B8B  }
0xa8: {  	_ =	swait.ge [sflag:s23], $0x1  }
0xa9: {  	[sflag:s23] =	ssyncset.done $0x0  }
0xaa: {  	s25 =	simm.s32 $0x1B8E;
	s24 =	sld [smem:$0x3FFE];
	[sflag:s23] =	ssyncadd.s32 $0xFFFFFFFF  }
0xab: {  	s26 =	simm.s32 $execute0_lowered;
	[smem:$0x3FD2] =	sst s25  }
0xac: {  	s6 =	sshll.u32 s26, $0x1;
	_ =	strace $0x80000046;
	[dreg:$0x1] =	wrdreg $0xFFFFFFFF  }
0xad: {  	s28 =	simm.s32 $_size_execute0_lowered;
	s4 =	sadd.s32 s4, s6;
	[dreg:$0x0] =	wrdreg $0x0  }
0xae: {  	s6 =	sshll.u32 s28, $0x1;
	[dreg:$0x2] =	wrdreg s4  }
0xaf: {  	[dreg:$0x3] =	wrdreg s6  }
0xb0: {  	[dreg:$0x4] =	wrdreg $0xC0  }
0xb1: {  	_ =	task [dreg:s8], $0x5FFFF  }
0xb2: {  	[dreg:$0x1] =	wrdreg $0xFFFFFFFF  }
0xb3: {  	[dreg:$0x0] =	wrdreg $0x60  }
0xb4: {  	[dreg:$0x2] =	wrdreg s15  }
0xb5: {  	[dreg:$0x3] =	wrdreg s24  }
0xb6: {  	[dreg:$0x4] =	wrdreg s16  }
0xb7: {  	[dreg:$0x5] =	wrdreg $0x9  }
0xb8: {  	_ =	task.clear_ibuf [dreg:s8], $0x6FFFF;
	_ =	strace $0x90000046  }
0xb9: {  	s29 =	simm.s32 $0x9;
	_ =	strace $0x80000048  }
0xba: {  	_ =	swait.ge [sflag:s29], $0x1  }
0xbb: {  	[sflag:s29] =	ssyncadd.s32 $0xFFFFFFFF  }
0xbc: {  	_ =	strace $0x90000048  }
0xbd: {  	_ =	sfence  }
0xbe: {  	s30 =	sld [smem:$0x0];
	_ =	sdelay $0x2  }
0xbf: {  	s31 =	sshll.u32 s1, $0xD;
	s1 =	sshrl.u32 s1, $0x2  }
0xc0: {  	s3 =	sand.u32 $0x4000, s31;
	s1 =	sadd.s32 s1, s30  }
0xc1: {  	s0 =	sor.u32 s3, s0;
	s1 =	sshll.u32 s1, $0x11  }
0xc2: {  	s0 =	sor.u32 s1, s0  }
0xc3: {  	s0 =	sadd.s32 $0x8F2B, s0  }
0xc4: {  	[sflag:s0] =	ssyncadd.remote.s32 $0x1  }
0xc5: {  	_ =	sfence.sel $0xFFFF  }
0xc6: {  	[dreg:$0x0] =	wrdreg $0xFFFFFFFF;
	(pc) =	sbr.abs _section_cstart, $3  }
0xc7: {  	[dreg:$0x1] =	wrdreg $0xFFFFFFFF  }
0xc8: {  	_ =	task.clear_ibuf [dreg:s8], $0x2FFFF;
	_ =	strace $0x9FFFFFFF  }
0xc9: {  	(tm) =	ssettm $0x7FFFFFFF  }
tec
execute0_lowered:
.L_overlay_start_1:
0x0: {  	(tag) =	ssettag $0x1  }
0x1: {  	s0 =	rddreg [dreg:$0x0]  }
0x2: {  	s1 =	rddreg [dreg:$0x1]  }
0x3: {  	s7 =	rddreg [dreg:$0x2];
	s9 =	stileid.u32;
	s2 =	simm.s32 $0x0  }
0x4: {  	s4 =	srdreg.scid;
	s12 =	simm.s32 $0x80;
	s13 =	simm.s32 $0x200  }
0x5: {  	s14 =	simm.s32 $0x2;
	s18 =	simm.s32 $0xE000;
	s19 =	simm.s32 $0x20  }
0x6: {  	s20 =	simm.s32 $0xE400;
	s21 =	simm.s32 $0xE480;
	s22 =	simm.s32 $0x1  }
0x7: {  	s29 =	simm.s32 $0x0;
	s8 =	sshrl.u32 s9, $0x2;
	[smem:$0x7FF] =	sst s2  }
0x8: {  	s26 =	sand.u32 $0x1, s4;
	s9 =	sshll.u32 s9, $0x1;
	s3 =	sshll.u32 s8, $0x11  }
0x9: {  	_ =	strace $0x80000047;
	s28 =	sshll.u32 s8, $0x4;
	s5 =	ssub.s32 $0x2, s26  }
0xa: {  	s9 =	sand.u32 $0x6, s9;
	s8 =	sshll.u32 s8, $0x12;
	s6 =	sadd.s32 s3, s1  }
0xb: {  	s1 =	sadd.s32 s28, s1;
	s10 =	sshrl.u32 s5, $0x1;
	s9 =	sor.u32 s26, s9  }
0xc: {  	s0 =	sadd.s32 s0, s28;
	s7 =	sadd.s32 s7, s8;
	s11 =	ssub.s32 s5, s10  }
0xd: {  	[dreg:$0x4] =	wrdreg s0;
	s4 =	sadd.s32 $0xA00, s1;
	s5 =	sadd.s32 $0x3A00, s1  }
0xe: {  	s30 =	sadd.s32 $0x4A00, s1;
	s15 =	sshll.u32 s9, $0x9;
	s6 =	sadd.s32 $0x5A00, s6  }
0xf: {  	s8 =	sshll.u32 s9, $0xF;
	s9 =	sshll.u32 s9, $0xA;
	s10 =	sadd.s32 $0x85A00, s1  }
0x10: {  	v0 =	vlaneseq.u32;
	s31 =	sor.u32 $0x2000, s9;
	s16 =	sor.u32 $0x4000, s9;
	s11 =	smax.u32 s11, $0x1  }
0x11: {  	v1 =	vimm.s32 $0x0;
	vm0 =	vmmov $0x1;
	v2 =	vor.u32 $0x10, v0;
	s17 =	sadd.s32 s15, s30;
	s24 =	sadd.s32 s10, s31;
	s25 =	sadd.s32 s10, s16  }
.LBB2_1:
0x12: {  	s0 =	rddreg [dreg:$0x4]  }
0x13: {  	[tilespmem:s2], [sflag:$0x2] =	stream.strided.gather [hbm4b:s0+s12], $0x6000, s13, s12, $0x38;
	[tilespmem:$0x10C80] =	vst v63  }
0x14: {  	_ =	swait.ge [sflag:s14], $0x6000  }
0x15: {  	[sflag:s14] =	ssyncset.done $0x0  }
0x16: {  	s28 =	simm.s32 $0x6000;
	[sflag:s14] =	ssyncadd.s32 $0xFFFFA000  }
0x17: {  	[tilespmem:s28], [sflag:$0x2] =	stream.strided.gather [hbm4b:s4+s12], $0x6000, s13, s12, $0x38;
	[tilespmem:$0x10C80] =	vst v63  }
0x18: {  	_ =	swait.ge [sflag:s14], $0x6000  }
0x19: {  	[sflag:s14] =	ssyncset.done $0x0  }
0x1a: {  	s31 =	simm.s32 $0xC000;
	[sflag:s14] =	ssyncadd.s32 $0xFFFFA000  }
0x1b: {  	[tilespmem:s31], [sflag:$0x2] =	stream.strided.gather [hbm4b:s5+s12], $0x2000, s13, s12, $0x38;
	[tilespmem:$0x10C80] =	vst v63  }
0x1c: {  	_ =	swait.ge [sflag:s14], $0x2000  }
0x1d: {  	[sflag:s14] =	ssyncset.done $0x0  }
0x1e: {  	[sflag:s14] =	ssyncadd.s32 $0xFFFFE000  }
0x1f: {  	[tilespmem:s18], [sflag:$0x2] =	stream.strided.gather [hbm4b:s17+s12], $0x400, s13, s12, $0x38;
	[tilespmem:$0x10C80] =	vst v63  }
0x20: {  	_ =	swait.ge [sflag:s14], $0x400  }
0x21: {  	[sflag:s14] =	ssyncset.done $0x0  }
0x22: {  	s30 =	simm.s32 $0x0;
	[sflag:s14] =	ssyncadd.s32 $0xFFFFFC00  }
.LBB2_2:
0x23: {  	s0 =	sshll.u32 s30, $0x4  }
0x24: {  	v3 =	vmov s0  }
0x25: {  	v5 =	vor.u32 $0x1, v3;
	_ =	sdelay $0x1  }
0x26: {  	v6 =	vor.u32 $0x2, v3;
	_ =	sdelay $0x1  }
0x27: {  	v4 =	vld.idx.msk [tilespmem:v3+s18+$0x0], $0xffff  }
0x28: {  	v5 =	vld.idx.msk [tilespmem:v5+s18+$0x0], $0xffff;
	_ =	sdelay $0x1  }
0x29: {  	v3 =	vld.idx.msk [tilespmem:v6+s18+$0x0], $0xffff;
	_ =	sdelay $0x2  }
0x2a: {  	v6 =	vmul.f32 v4, v4;
	v7 =	vmul.f32 v5, v5;
	_ =	sdelay $0x1  }
0x2b: {  	v6 =	vadd.f32 v7, v6;
	v7 =	vmul.f32 v3, v3  }
0x2c: {  	v8 =	vshrl.u32 v5, $0x10  }
0x2d: {  	v9 =	vshrl.u32 v3, $0x10;
	v6 =	vadd.f32 v7, v6;
	v7 =	vshrl.u32 v4, $0x10  }
0x2e: {  	v8 =	vand.u32 $0x1, v8;
	v9 =	vand.u32 $0x1, v9;
	v7 =	vand.u32 $0x1, v7  }
0x2f: {  	v8 =	vadd.s32 v8, v5;
	v9 =	vadd.s32 v9, v3;
	v7 =	vadd.s32 v7, v4  }
0x30: {  	s15 =	simm.s32 $0x0;
	v8 =	vadd.s32 $0x7FFF, v8;
	v9 =	vadd.s32 $0x7FFF, v9;
	v7 =	vadd.s32 $0x7FFF, v7  }
0x31: {  	s1 =	simm.s32 $0x0;
	s31 =	simm.s32 $0x0;
	s0 =	simm.s32 $0x30;
	v8 =	vand.u32 $0xFFFF0000, v8;
	v9 =	vand.u32 $0xFFFF0000, v9;
	v7 =	vand.u32 $0xFFFF0000, v7  }
.LBB2_3:
0x32: {  	s23 =	sshra.s32 s1, $0x2  }
0x33: {  	v10 =	vld [tilespmem:s23+$0x6000]  }
0x34: {  	v13 =	vld [tilespmem:s23+$0xC000]  }
0x35: {  	v14 =	vld [tilespmem:s23+$0x6010]  }
0x36: {  	v15 =	vld [tilespmem:s23+$0x8010]  }
0x37: {  	v16 =	vld [tilespmem:s23+$0xA010]  }
0x38: {  	v17 =	vld [tilespmem:s23+$0x6020]  }
0x39: {  	s16 =	sadd.s32 $0xFFFFFFD0, s0;
	v18 =	vld [tilespmem:s23+$0x8020]  }
0x3a: {  	s26 =	sand.u32 $0x1FC0, s16;
	v19 =	vld [tilespmem:s23+$0x6030]  }
0x3b: {  	v11 =	vld [tilespmem:s26+$0x8000]  }
0x3c: {  	v20 =	vld [tilespmem:s23+$0x8030]  }
0x3d: {  	v12 =	vld [tilespmem:s26+$0xA000]  }
0x3e: {  	v21 =	vld [tilespmem:s23+$0xC010]  }
0x3f: {  	v50 =	vld [tilespmem:s23+$0xA020]  }
0x40: {  	v56 =	vld [tilespmem:s23+$0xC020];
	v10 =	vmul.f32 v7, v10;
	v11 =	vmul.f32 v8, v11  }
0x41: {  	v57 =	vld [tilespmem:s23+$0xC030];
	v14 =	vmul.f32 v7, v14;
	v15 =	vmul.f32 v8, v15  }
0x42: {  	v52 =	vld [tilespmem:s23+$0xA030];
	v51 =	vmul.f32 v9, v16;
	v10 =	vadd.f32 v11, v10;
	v11 =	vmul.f32 v9, v12  }
0x43: {  	v53 =	vmul.f32 v8, v18;
	v54 =	vmul.f32 v7, v19;
	v13 =	vadd.f32 v13, v6  }
0x44: {  	v58 =	vadd.f32 v21, v6;
	v10 =	vadd.f32 v11, v10;
	v11 =	vmul.f32 v7, v17  }
0x45: {  	v55 =	vmul.f32 v8, v20;
	v61 =	vadd.f32 v56, v6;
	v14 =	vadd.f32 v15, v14  }
0x46: {  	v62 =	vadd.f32 v57, v6;
	v12 =	vmul.f32 v9, v50;
	v11 =	vadd.f32 v53, v11  }
0x47: {  	v16 =	vmul.f32 v9, v52;
	v15 =	vadd.f32 v55, v54;
	v14 =	vadd.f32 v51, v14  }
0x48: {  	v10 =	vadd.f32 v10, v10;
	v11 =	vadd.f32 v12, v11  }
0x49: {  	v60 =	vadd.f32 v16, v15;
	v14 =	vadd.f32 v14, v14  }
0x4a: {  	v10 =	vsub.f32 v13, v10;
	v11 =	vadd.f32 v11, v11  }
0x4b: {  	v59 =	vsub.f32 v58, v14;
	v13 =	vadd.f32 v60, v60  }
0x4c: {  	vm4 =	vle.f32 v10, $3.999999910e-02;
	v10 =	vsub.f32 v61, v11  }
0x4d: {  	vm2 =	vle.f32 v59, $3.999999910e-02;
	v63 =	vsel vm4, $0x1, v1;
	v11 =	vsub.f32 v62, v13  }
0x4e: {  	(xrf0) =	vadd.scan.msk.s32 $0xffff, v63;
	vm3 =	vle.f32 v10, $3.999999910e-02;
	v10 =	vsel vm2, $0x1, v1  }
0x4f: {  	vm1 =	vle.f32 v11, $3.999999910e-02;
	(xrf0) =	vadd.scan.msk.s32 $0xffff, v10;
	v10 =	vsel vm3, $0x1, v1  }
0x50: {  	(xrf0) =	vadd.scan.msk.s32 $0xffff, v10;
	v10 =	vsel vm1, $0x1, v1  }
0x51: {  	(xrf0) =	vadd.scan.msk.s32 $0xffff, v10;
	_ =	sdelay $0x2  }
0x52: {  	v10, _, _ =	vpop (xrf0)  }
0x53: {  	(v2sf) =	vpush v10, $0xF;
	v11, _, _ =	vpop (xrf0)  }
0x54: {  	v10, _, _ =	vpop (xrf0);
	(v2sf) =	vpush v11, $0xF  }
0x55: {  	(v2sf) =	vpush v10, $0xF;
	v10, _, _ =	vpop (xrf0)  }
0x56: {  	(v2sf) =	vpush v10, $0xF;
	_ =	sdelay $0xb  }
0x57: {  	s28 =	spop (v2sf)  }
0x58: {  	s23 =	sadd.s32 s31, s28;
	s3 =	spop (v2sf)  }
0x59: {  	v10 =	vor.u32 s16, v0;
	s28 =	spop (v2sf);
	s16 =	sadd.s32 s23, s3  }
0x5a: {  	s26 =	spop (v2sf);
	s28 =	sadd.s32 s16, s28  }
0x5b: {  	[tilespmem:s31+$0xE400] =	vst.msk vm4, v10;
	s31 =	sadd.s32 s28, s26  }
0x5c: {  	p0 =	sgt.s32 s31, $0x1F  }
0x5d: {  	p1 =	slt.u32 @!p0 s15, $0x7F  }
0x5e: {  	p0 =	por p0, !p1  }
.Ltmp0:
0x5f: {  	s3 =	sadd.s32 $0xFFFFFFE0, s0;
	(pc) =	sbr.rel @!p0 .LBB2_3-.Ltmp0, $4  }
0x60: {  	v10 =	vor.u32 s3, v0;
	s26 =	sadd.s32 $0xFFFFFFF0, s0  }
0x61: {  	[tilespmem:s23+$0xE400] =	vst.msk vm2, v10;
	v10 =	vor.u32 s26, v0  }
0x62: {  	[tilespmem:s16+$0xE400] =	vst.msk vm3, v10;
	v10 =	vor.u32 s0, v0  }
0x63: {  	s1 =	sadd.s32 $0x100, s1;
	s15 =	sadd.s32 $0x1, s15;
	s0 =	sadd.s32 $0x40, s0;
	[tilespmem:s28+$0xE400] =	vst.msk vm1, v10  }
0x64: {  	v6 =	vld [tilespmem:$0xE400];
	_ =	sdelay $0x4  }
0x65: {  	v7 =	vnsel vm0, $0x7FFFFFFF, v6  }
0x66: {  	v7 =	vxor.u32 $0x80000000, v7  }
0x67: {  	(xrf0) =	vmin.scan.msk.u32 $0xffff, v7;
	_ =	sdelay $0x5  }
0x68: {  	v7, _, _ =	vpop (xrf0)  }
0x69: {  	(v2sf) =	vpush v7, $0xF;
	_ =	sdelay $0xe  }
0x6a: {  	v56 =	vld [tilespmem:$0xE410];
	v8 =	vmov s31;
	s0 =	spop (v2sf)  }
0x6b: {  	vm1 =	vgt.s32 v8, v0;
	s0 =	sxor.u32 $0x80000000, s0  }
0x6c: {  	v6 =	vnsel vm1, s0, v6  }
0x6d: {  	v57 =	vadd.s32 $0x2000, v6  }
0x6e: {  	vm1 =	vgt.s32 v8, v2;
	v9 =	vadd.s32 $0x4000, v6  }
0x6f: {  	v7 =	vnsel vm1, s0, v56;
	[tilespmem:$0xE400] =	vst v6  }
0x70: {  	[tilespmem:$0xE410] =	vst v7  }
0x71: {  	v6 =	vld.idx.msk [tilespmem:v6+s2+$0x0], $0xffff  }
0x72: {  	v7 =	vld.idx.msk [tilespmem:v57+s2+$0x0], $0xffff  }
0x73: {  	v58 =	vld.idx.msk [tilespmem:v9+s2+$0x0], $0xffff;
	_ =	sdelay $0x2  }
0x74: {  	v6 =	vsub.f32 v6, v4  }
0x75: {  	s28 =	sshll.u32 s30, $0x5;
	v7 =	vsub.f32 v7, v5  }
0x76: {  	s1 =	sand.u32 $0x7E0, s28;
	v59 =	vsub.f32 v58, v3;
	[tilespmem:s28+$0xF480] =	vst v6  }
0x77: {  	[tilespmem:s1+$0xFC80] =	vst v7  }
0x78: {  	[tilespmem:s1+$0x10480] =	vst v59  }
0x79: {  	v6 =	vld [tilespmem:$0xE410];
	_ =	sdelay $0x4  }
0x7a: {  	v60 =	vadd.s32 $0x2000, v6  }
0x7b: {  	v61 =	vadd.s32 $0x4000, v6;
	_ =	sdelay $0x2  }
0x7c: {  	v6 =	vld.idx.msk [tilespmem:v6+s2+$0x0], $0xffff  }
0x7d: {  	v7 =	vld.idx.msk [tilespmem:v60+s2+$0x0], $0xffff  }
0x7e: {  	v8 =	vld.idx.msk [tilespmem:v61+s2+$0x0], $0xffff;
	_ =	sdelay $0x2  }
0x7f: {  	v62 =	vsub.f32 v6, v4  }
0x80: {  	v63 =	vsub.f32 v7, v5  }
0x81: {  	[tilespmem:s28+$0xF490] =	vst v62;
	v3 =	vsub.f32 v8, v3  }
0x82: {  	[tilespmem:s28+$0xFC90] =	vst v63  }
0x83: {  	[tilespmem:s28+$0x10490] =	vst v3  }
0x84: {  	[tilespmem:s21], [sflag:$0x1] =	stream.indirect.gather [hbm4b:s6+s19], $0x80, s20, s19, $0xb8;
	[tilespmem:$0x10C80] =	vst v63  }
0x85: {  	s31 =	sshll.u32 s30, $0x9;
	s30 =	sadd.s32 $0x1, s30;
	_ =	swait.ge [sflag:s22], $0x1000  }
0x86: {  	p0 =	sne.s32 s30, $0x40;
	s0 =	sadd.s32 s8, s31;
	[sflag:s22] =	ssyncset.done $0x0  }
.Ltmp1:
0x87: {  	s0 =	sadd.s32 s7, s0;
	[sflag:s22] =	ssyncadd.s32 $0xFFFFF000;
	(pc) =	sbr.rel @p0 .LBB2_2-.Ltmp1, $4  }
0x88: {  	[hbm4b:s0+s2] =	stream.linear.scatter [tilespmem:s21], [sflag:$0x2], $0x1000, $0x38;
	[tilespmem:$0x10C80] =	vst v63  }
0x89: {  	_ =	swait.ge [sflag:s14], $0x1000  }
0x8a: {  	[sflag:s14] =	ssyncset.done $0x0  }
0x8b: {  	[sflag:s14] =	ssyncadd.s32 $0xFFFFF000  }
0x8c: {  	s0 =	sadd.s32 s9, s10;
	s1 =	simm.s32 $0xF480  }
0x8d: {  	[hbm4b:s0+s12] =	stream.strided.scatter [tilespmem:s1], [sflag:$0x2], $0x800, s13, s12, $0x38;
	[tilespmem:$0x10C80] =	vst v63  }
0x8e: {  	_ =	swait.ge [sflag:s14], $0x800  }
0x8f: {  	[sflag:s14] =	ssyncset.done $0x0  }
0x90: {  	s30 =	simm.s32 $0xFC80;
	[sflag:s14] =	ssyncadd.s32 $0xFFFFF800  }
0x91: {  	[hbm4b:s24+s12] =	stream.strided.scatter [tilespmem:s30], [sflag:$0x2], $0x800, s13, s12, $0x38;
	[tilespmem:$0x10C80] =	vst v63  }
0x92: {  	s29 =	sadd.s32 $0x1, s29;
	_ =	swait.ge [sflag:s14], $0x800  }
0x93: {  	p0 =	sne.s32 s29, s11;
	[sflag:s14] =	ssyncset.done $0x0  }
.Ltmp2:
0x94: {  	s31 =	simm.s32 $0x10480;
	[sflag:s14] =	ssyncadd.s32 $0xFFFFF800;
	(pc) =	sbr.rel @p0 .LBB2_1-.Ltmp2, $4  }
0x95: {  	[hbm4b:s25+s12] =	stream.strided.scatter [tilespmem:s31], [sflag:$0x2], $0x800, s13, s12, $0x38;
	[tilespmem:$0x10C80] =	vst v63  }
0x96: {  	_ =	swait.ge [sflag:s14], $0x800  }
0x97: {  	[sflag:s14] =	ssyncset.done $0x0  }
0x98: {  	[sflag:s14] =	ssyncadd.s32 $0xFFFFF800  }
0x99: {  	_ =	sfence.sel $0x180000  }
0x9a: {  	[bflag:$0x0] =	sbarrier.arrive $0xFFFF  }
0x9b: {  	_ =	strace $0x90000047  }
0x9c: {  	s0 =	stileid.u32;
	[bflag:$0x2] =	sbarrier.arrive $0xFFFF  }
0x9d: {  	p0 =	sne.s32 s0, $0x0;
	s0 =	rddreg [dreg:$0x3]  }
0x9e: {  	s0 =	sadd.s32 @!p0 $0x100000, s0  }
0x9f: {  	[sflag:s0] =	ssyncadd.tile.s32 @!p0 $0x1;
	_ =	shalt  }
.Lfunc_end2:
_tile_overlayer_lowered:
.L_overlay_start_2:
0xa0: {  	(tag) =	ssettag $0x2  }
0xa1: {  	s0 =	rddreg [dreg:$0x0];
	s2 =	stileid.u32  }
0xa2: {  	s1 =	rddreg [dreg:$0x1];
	p0 =	sne.s32 s2, $0x0  }
0xa3: {  	s3 =	rddreg [dreg:$0x2];
	[bflag:$0x3] =	sbarrier.arrive $0xFFFF;
	s2 =	simm.s32 @!p0 $0x1C02  }
0xa4: {  	[timem:s3], [sflag:s2] =	dma.local @!p0 [hbm:s0], s1  }
0xa5: {  	s0 =	simm.s32 @!p0 $0x2  }
0xa6: {  	_ =	swait.ge @!p0 [sflag:s0], s1  }
0xa7: {  	s1 =	ssub.s32 @!p0 $0x0, s1;
	[sflag:s0] =	ssyncset.done @!p0 $0x0  }
0xa8: {  	[sflag:s0] =	ssyncadd.s32 @!p0 s1  }
0xa9: {  	[bflag:$0x3] =	sbarrier.arrive $0xFFFF  }
0xaa: {  	_ =	shalt  }

</sc_bundles>
